<compile_context>
chip_gen: v7x
topology: tpu7x:2x2x1
jax: 0.10.2.dev20260603
libtpu: 0.0.44.dev20260713+nightly
codegen_flags: <defaults>
</compile_context>

<pallas_src>
import jax
import jax.numpy as jnp
import numpy as np
from jax.experimental import pallas as pl
from jax.experimental.pallas import tpu as pltpu

K = 128
ALPHA = 0.1
_F = 104
_BC = 64

_GUMBEL_CACHE = {}


def _np_threefry2x32(x0, x1):
    ks0 = np.uint32(0)
    ks1 = np.uint32(7)
    ks2 = ks0 ^ ks1 ^ np.uint32(0x1BD11BDA)
    rot0 = (13, 15, 26, 6)
    rot1 = (17, 29, 16, 24)

    def rounds(x0, x1, rots):
        for r in rots:
            x0 = (x0 + x1).astype(np.uint32)
            x1 = ((x1 << np.uint32(r)) | (x1 >> np.uint32(32 - r))) ^ x0
        return x0, x1

    x0 = (x0 + ks0).astype(np.uint32)
    x1 = (x1 + ks1).astype(np.uint32)
    x0, x1 = rounds(x0, x1, rot0)
    x0 = (x0 + ks1).astype(np.uint32); x1 = (x1 + ks2 + np.uint32(1)).astype(np.uint32)
    x0, x1 = rounds(x0, x1, rot1)
    x0 = (x0 + ks2).astype(np.uint32); x1 = (x1 + ks0 + np.uint32(2)).astype(np.uint32)
    x0, x1 = rounds(x0, x1, rot0)
    x0 = (x0 + ks0).astype(np.uint32); x1 = (x1 + ks1 + np.uint32(3)).astype(np.uint32)
    x0, x1 = rounds(x0, x1, rot1)
    x0 = (x0 + ks1).astype(np.uint32); x1 = (x1 + ks2 + np.uint32(4)).astype(np.uint32)
    x0, x1 = rounds(x0, x1, rot0)
    x0 = (x0 + ks2).astype(np.uint32); x1 = (x1 + ks0 + np.uint32(5)).astype(np.uint32)
    return x0, x1


def _gumbel_const(B):
    if B in _GUMBEL_CACHE:
        return _GUMBEL_CACHE[B]
    n = B * K * K
    out = np.empty(n, dtype=np.float32)
    tiny = np.float32(np.finfo(np.float32).tiny)
    scale = np.float32(np.float32(1.0) - tiny)
    chunk = 1 << 22
    for start in range(0, n, chunk):
        stop = min(start + chunk, n)
        x1 = np.arange(start, stop, dtype=np.uint32)
        x0 = np.zeros_like(x1)
        b0, b1 = _np_threefry2x32(x0, x1)
        bits = b0 ^ b1
        float_bits = (bits >> np.uint32(9)) | np.uint32(0x3F800000)
        floats = float_bits.view(np.float32) - np.float32(1.0)
        u = np.maximum(tiny, floats * scale + tiny)
        out[start:stop] = -np.log(-np.log(u))
    g = out.reshape(B, K, K)
    _GUMBEL_CACHE[B] = g
    return g


def _sig(x):
    return 0.5 * jnp.tanh(0.5 * x) + 0.5


def _mega_kernel(h0_ref, nz_ref, x_ref, p0T_ref, g_ref,
                 w1t_ref, b1t_ref, w2t_ref, b2t_ref, w3t_ref, b3t_ref,
                 w1oh_ref, w1ox_ref, b1o_ref, w2o_ref, b2o_ref, w3o_ref, b3o_ref,
                 h1nT_ref, pnT_ref, h1s_ref, liks_ref):
    i = pl.program_id(0)
    cur = jax.lax.rem(i, 2)
    prev = jax.lax.rem(i + 1, 2)

    lik = liks_ref[prev].reshape(-1, K)
    h1p = h1s_ref[prev].reshape(-1, K)
    p0 = p0T_ref[...]
    w = lik * p0
    p1 = w / jnp.sum(w, axis=1, keepdims=True)
    logits = jnp.log(ALPHA * p1 + (1.0 - ALPHA) / K)
    scores = g_ref[...] + logits[:, None, :]
    m = jnp.max(scores, axis=2, keepdims=True)
    jidx = jax.lax.broadcasted_iota(jnp.int32, scores.shape, 2)
    jstar = jnp.min(jnp.where(scores == m, jidx, K), axis=2, keepdims=True)
    onehot = jidx == jstar
    h1sel = jnp.sum(jnp.where(onehot, h1p[:, None, :], 0.0), axis=2)
    p1sel = jnp.sum(jnp.where(onehot, p1[:, None, :], 0.0), axis=2)
    pg = jnp.exp(p1sel)
    pn = pg / (ALPHA * pg + (1.0 - ALPHA) / K)
    pnT_ref[...] = pn / jnp.sum(pn, axis=1, keepdims=True)
    h1nT_ref[...] = h1sel

    h0 = h0_ref[...].reshape(1, -1)
    nz = nz_ref[...].reshape(1, -1)
    x = x_ref[...]
    a1 = h0 * w1t_ref[:, 0:1] + nz * w1t_ref[:, 1:2] + b1t_ref[...]
    s1 = _sig(a1)
    a2 = jnp.dot(w2t_ref[...], s1, preferred_element_type=jnp.float32) + b2t_ref[...]
    s2 = _sig(a2)
    h1 = jnp.sum(s2 * w3t_ref[...], axis=0, keepdims=True) + b3t_ref[0, 0]
    a1o = (h1 * w1oh_ref[...]
           + jnp.dot(w1ox_ref[...], x, preferred_element_type=jnp.float32)
           + b1o_ref[...])
    s1o = _sig(a1o)
    a2o = jnp.dot(w2o_ref[...], s1o, preferred_element_type=jnp.float32) + b2o_ref[...]
    s2o = _sig(a2o)
    a3o = jnp.sum(s2o * w3o_ref[...], axis=0, keepdims=True) + b3o_ref[0, 0]
    h1s_ref[cur] = h1.reshape(h1s_ref.shape[1:])
    liks_ref[cur] = _sig(a3o).reshape(liks_ref.shape[1:])


def _pad_cols(a):
    a = jnp.asarray(a, jnp.float32)
    if a.ndim == 1:
        a = a.reshape(-1, 1)
    return jnp.pad(a, ((0, _F - a.shape[0]), (0, 0)))


def kernel(input_, h0, p0, W1t, b1t, W2t, b2t, W3t, b3t,
           W1o, b1o, W2o, b2o, W3o, b3o):
    N = h0.shape[0]
    B = N // K
    bc = _BC if B % _BC == 0 else B
    nch = B // bc
    R = bc * K

    h0P = h0.reshape(K, B).T.reshape(nch, 1, R)
    noise = jax.random.normal(jax.random.key(42), (K, B), dtype=h0.dtype)
    nzP = noise.T.reshape(nch, 1, R)
    xP = input_.reshape(K, B, 16).transpose(1, 0, 2).reshape(N, 16).T
    p0T = p0.reshape(K, B).T
    g = _gumbel_const(B)

    w1t = _pad_cols(W1t.T)
    b1t_ = _pad_cols(b1t)
    w2t = jnp.pad(_pad_cols(W2t.T), ((0, 0), (0, _F - 100)))
    b2t_ = _pad_cols(b2t)
    w3t = _pad_cols(W3t[:, 0])
    b3t_ = b3t.reshape(1, 1)
    w1oh = _pad_cols(W1o[0, :])
    w1ox = _pad_cols(W1o[1:17, :].T)
    b1o_ = _pad_cols(b1o)
    w2o = jnp.pad(_pad_cols(W2o.T), ((0, 0), (0, _F - 100)))
    b2o_ = _pad_cols(b2o)
    w3o = _pad_cols(W3o[:, 0])
    b3o_ = b3o.reshape(1, 1)

    rep = lambda shape: pl.BlockSpec(shape, lambda i: (0,) * len(shape))
    cur3 = lambda shape: pl.BlockSpec(
        shape, lambda i: (jnp.minimum(i, nch - 1),) + (0,) * (len(shape) - 1))
    curcol = lambda shape: pl.BlockSpec(shape, lambda i: (0, jnp.minimum(i, nch - 1)))
    prv = lambda shape: pl.BlockSpec(
        shape, lambda i: (jnp.maximum(i - 1, 0),) + (0,) * (len(shape) - 1))

    h1nT, pnT = pl.pallas_call(
        _mega_kernel,
        grid=(nch + 1,),
        in_specs=[cur3((1, 1, R)), cur3((1, 1, R)), curcol((16, R)),
                  prv((bc, K)), prv((bc, K, K)),
                  rep((_F, 2)), rep((_F, 1)), rep((_F, _F)), rep((_F, 1)),
                  rep((_F, 1)), rep((1, 1)),
                  rep((_F, 1)), rep((_F, 16)), rep((_F, 1)),
                  rep((_F, _F)), rep((_F, 1)), rep((_F, 1)), rep((1, 1))],
        out_specs=[prv((bc, K)), prv((bc, K))],
        out_shape=[jax.ShapeDtypeStruct((B, K), jnp.float32),
                   jax.ShapeDtypeStruct((B, K), jnp.float32)],
        scratch_shapes=[pltpu.VMEM((2, 1, R), jnp.float32),
                        pltpu.VMEM((2, 1, R), jnp.float32)],
    )(h0P, nzP, xP, p0T, g,
      w1t, b1t_, w2t, b2t_, w3t, b3t_,
      w1oh, w1ox, b1o_, w2o, b2o_, w3o, b3o_)

    h1_new = h1nT.T.reshape(N, 1)
    prob_new = pnT.T.reshape(N, 1)
    return (h1_new, prob_new)

# --- scband reference (transcript-rebuilt; emitter-appended) ---
"""Pipeline reference for scband-pfrnn-30648886624548 (READ-ONLY COPY).

The authoritative reference and input builder live on the scoring server;
editing this copy changes nothing except your own understanding.
"""

import jax, jax.numpy as jnp
import numpy as np

K = 128          # num_particles
B = 4096         # batch size
N = K * B        # flattened particle dim = 524288
H = 1            # hidden_size (must be 1, see module structure)
EXT = 16         # ext_obs
ALPHA = 0.1      # resamp_alpha


def _linear_params(key, fan_in, fan_out):
    k1, k2 = jax.random.split(key)
    bound = 1.0 / np.sqrt(fan_in)
    W = jax.random.uniform(k1, (fan_in, fan_out), minval=-bound, maxval=bound, dtype=jnp.float32)
    b = jax.random.uniform(k2, (fan_out,), minval=-bound, maxval=bound, dtype=jnp.float32)
    return W, b


def setup_inputs(seed: int = 0) -> dict:
    key = jax.random.key(seed)
    ks = jax.random.split(key, 10)
    input_ = jax.random.normal(ks[0], (N, EXT), dtype=jnp.float32)
    h0 = jax.random.normal(ks[1], (N, H), dtype=jnp.float32)
    p0 = jax.random.uniform(ks[2], (N, 1), dtype=jnp.float32)
    # fc_trans: Linear(H+1, 100) -> Sigmoid -> Linear(100,100) -> Sigmoid -> Linear(100,1)
    W1t, b1t = _linear_params(ks[3], H + 1, 100)
    W2t, b2t = _linear_params(ks[4], 100, 100)
    W3t, b3t = _linear_params(ks[5], 100, 1)
    # fc_obs: Linear(EXT+H, 100) -> Sigmoid -> Linear(100,100) -> Sigmoid -> Linear(100,1) -> Sigmoid
    W1o, b1o = _linear_params(ks[6], EXT + H, 100)
    W2o, b2o = _linear_params(ks[7], 100, 100)
    W3o, b3o = _linear_params(ks[8], 100, 1)
    return {"input_": input_, "h0": h0, "p0": p0,
            "W1t": W1t, "b1t": b1t, "W2t": W2t, "b2t": b2t, "W3t": W3t, "b3t": b3t,
            "W1o": W1o, "b1o": b1o, "W2o": W2o, "b2o": b2o, "W3o": W3o, "b3o": b3o}


def reference(input_, h0, p0, W1t, b1t, W2t, b2t, W3t, b3t, W1o, b1o, W2o, b2o, W3o, b3o):
    sig = jax.nn.sigmoid
    # stochastic transition: h1 = fc_trans(concat(h0, noise))
    noise = jax.random.normal(jax.random.key(42), h0.shape, dtype=h0.dtype)
    x = jnp.concatenate([h0, noise], axis=1)
    h1 = sig(sig(x @ W1t + b1t) @ W2t + b2t) @ W3t + b3t  # [N, 1], no final sigmoid
    # observation likelihood: fc_obs(concat(h1, input_)) with final sigmoid
    o = jnp.concatenate([h1, input_], axis=1)
    lik = sig(sig(sig(o @ W1o + b1o) @ W2o + b2o) @ W3o + b3o)  # [N, 1]
    # weight update + normalize over particle dim
    p1 = lik.reshape(K, -1, 1) * p0.reshape(K, -1, 1)
    p1 = p1 / jnp.sum(p1, axis=0, keepdims=True)  # [K, B, 1]
    # soft resampling
    resamp_prob = ALPHA * p1 + (1.0 - ALPHA) / K
    resamp_prob = resamp_prob.reshape(K, -1)  # [K, B]
    logits = jnp.log(resamp_prob.T)  # [B, K]
    idx = jax.random.categorical(jax.random.key(7), logits[:, None, :], shape=(B, K))  # [B, K]
    idx = idx.T  # [K, B]
    offset = jnp.arange(B, dtype=idx.dtype)[None, :]
    flat_indices = (offset + idx * B).reshape(-1)  # [K*B]
    h1_new = h1[flat_indices]
    prob_new = jnp.exp(p1.reshape(-1, 1)[flat_indices])
    prob_new = prob_new / (ALPHA * prob_new + (1.0 - ALPHA) / K)
    prob_new = prob_new.reshape(K, -1, 1)
    prob_new = prob_new / jnp.sum(prob_new, axis=0, keepdims=True)
    prob_new = prob_new.reshape(-1, 1)
    return (h1_new, prob_new)

if __name__ == "__main__":
    import jax
    _d = setup_inputs()
    print(jax.jit(kernel)(*tuple(_d.values())))

</pallas_src>

<mosaic_0001>
module attributes {stable_mosaic.version = 14 : i64} {
  func.func @_mega_kernel(%arg0: i32, %arg1: memref<1x1x8192xf32, #tpu.memory_space<vmem>>, %arg2: memref<1x1x8192xf32, #tpu.memory_space<vmem>>, %arg3: memref<16x8192xf32, #tpu.memory_space<vmem>>, %arg4: memref<64x128xf32, #tpu.memory_space<vmem>>, %arg5: memref<64x128x128xf32, #tpu.memory_space<vmem>>, %arg6: memref<104x2xf32, #tpu.memory_space<vmem>>, %arg7: memref<104x1xf32, #tpu.memory_space<vmem>>, %arg8: memref<104x104xf32, #tpu.memory_space<vmem>>, %arg9: memref<104x1xf32, #tpu.memory_space<vmem>>, %arg10: memref<104x1xf32, #tpu.memory_space<vmem>>, %arg11: memref<1x1xf32, #tpu.memory_space<vmem>>, %arg12: memref<104x1xf32, #tpu.memory_space<vmem>>, %arg13: memref<104x16xf32, #tpu.memory_space<vmem>>, %arg14: memref<104x1xf32, #tpu.memory_space<vmem>>, %arg15: memref<104x104xf32, #tpu.memory_space<vmem>>, %arg16: memref<104x1xf32, #tpu.memory_space<vmem>>, %arg17: memref<104x1xf32, #tpu.memory_space<vmem>>, %arg18: memref<1x1xf32, #tpu.memory_space<vmem>>, %arg19: memref<64x128xf32, #tpu.memory_space<vmem>>, %arg20: memref<64x128xf32, #tpu.memory_space<vmem>>, %arg21: memref<2x1x8192xf32, #tpu.memory_space<vmem>>, %arg22: memref<2x1x8192xf32, #tpu.memory_space<vmem>>) attributes {dimension_semantics = [#tpu.dimension_semantics<arbitrary>], iteration_bounds = array<i64: 65>, scalar_prefetch = 0 : i64, scratch_operands = 2 : i64, tpu.core_type = #tpu.core_type<tc>, window_params = [{transform_indices = @transform_0, window_bounds = array<i64: 1, 1, 8192>}, {transform_indices = @transform_1, window_bounds = array<i64: 1, 1, 8192>}, {transform_indices = @transform_2, window_bounds = array<i64: 16, 8192>}, {transform_indices = @transform_3, window_bounds = array<i64: 64, 128>}, {transform_indices = @transform_4, window_bounds = array<i64: 64, 128, 128>}, {pipeline_mode = #tpu.pipeline_mode<synchronous>, transform_indices = @transform_5, window_bounds = array<i64: 104, 2>}, {pipeline_mode = #tpu.pipeline_mode<synchronous>, transform_indices = @transform_6, window_bounds = array<i64: 104, 1>}, {pipeline_mode = #tpu.pipeline_mode<synchronous>, transform_indices = @transform_7, window_bounds = array<i64: 104, 104>}, {pipeline_mode = #tpu.pipeline_mode<synchronous>, transform_indices = @transform_8, window_bounds = array<i64: 104, 1>}, {pipeline_mode = #tpu.pipeline_mode<synchronous>, transform_indices = @transform_9, window_bounds = array<i64: 104, 1>}, {pipeline_mode = #tpu.pipeline_mode<synchronous>, transform_indices = @transform_10, window_bounds = array<i64: 1, 1>}, {pipeline_mode = #tpu.pipeline_mode<synchronous>, transform_indices = @transform_11, window_bounds = array<i64: 104, 1>}, {pipeline_mode = #tpu.pipeline_mode<synchronous>, transform_indices = @transform_12, window_bounds = array<i64: 104, 16>}, {pipeline_mode = #tpu.pipeline_mode<synchronous>, transform_indices = @transform_13, window_bounds = array<i64: 104, 1>}, {pipeline_mode = #tpu.pipeline_mode<synchronous>, transform_indices = @transform_14, window_bounds = array<i64: 104, 104>}, {pipeline_mode = #tpu.pipeline_mode<synchronous>, transform_indices = @transform_15, window_bounds = array<i64: 104, 1>}, {pipeline_mode = #tpu.pipeline_mode<synchronous>, transform_indices = @transform_16, window_bounds = array<i64: 104, 1>}, {pipeline_mode = #tpu.pipeline_mode<synchronous>, transform_indices = @transform_17, window_bounds = array<i64: 1, 1>}, {transform_indices = @transform_18, window_bounds = array<i64: 64, 128>}, {transform_indices = @transform_19, window_bounds = array<i64: 64, 128>}]} {
    %rem3A = arith.constant 2 : i32
    %rem3A_0 = arith.remsi %arg0, %rem3A : i32
    %add3A = arith.constant 1 : i32
    %add3A_1 = arith.addi %arg0, %add3A : i32
    %rem3A_2 = arith.constant 2 : i32
    %rem3A_3 = arith.remsi %add3A_1, %rem3A_2 : i32
    %get3A = arith.index_cast %rem3A_3 : i32 to index
    %get3A_4 = arith.constant 0 : index
    %get3A_5 = arith.constant 0 : index
    %get3A_6 = vector.load %arg22[%get3A, %get3A_4, %get3A_5] : memref<2x1x8192xf32, #tpu.memory_space<vmem>>, vector<1x1x8192xf32>
    %get3A_7 = vector.shape_cast %get3A_6 : vector<1x1x8192xf32> to vector<1x8192xf32>
    %reshape3A = vector.shape_cast %get3A_7 : vector<1x8192xf32> to vector<64x128xf32>
    %get3A_8 = arith.index_cast %rem3A_3 : i32 to index
    %get3A_9 = arith.constant 0 : index
    %get3A_10 = arith.constant 0 : index
    %get3A_11 = vector.load %arg21[%get3A_8, %get3A_9, %get3A_10] : memref<2x1x8192xf32, #tpu.memory_space<vmem>>, vector<1x1x8192xf32>
    %get3A_12 = vector.shape_cast %get3A_11 : vector<1x1x8192xf32> to vector<1x8192xf32>
    %reshape3A_13 = vector.shape_cast %get3A_12 : vector<1x8192xf32> to vector<64x128xf32>
    %get3A_14 = arith.constant 0 : index
    %get3A_15 = arith.constant 0 : index
    %get3A_16 = vector.load %arg4[%get3A_14, %get3A_15] : memref<64x128xf32, #tpu.memory_space<vmem>>, vector<64x128xf32>
    %mul3A = arith.mulf %reshape3A, %get3A_16 : vector<64x128xf32>
    %reduce_sum3A = arith.constant dense<0.000000e+00> : vector<64xf32>
    %reduce_sum3A_17 = vector.multi_reduction <add>, %mul3A, %reduce_sum3A [1] : vector<64x128xf32> to vector<64xf32>
    %broadcast_in_dim3A = vector.shape_cast %reduce_sum3A_17 : vector<64xf32> to vector<64x1xf32>
    %div3A = vector.broadcast %broadcast_in_dim3A : vector<64x1xf32> to vector<64x128xf32>
    %div3A_18 = arith.divf %mul3A, %div3A : vector<64x128xf32>
    %mul3A_19 = arith.constant 1.000000e-01 : f32
    %mul3A_20 = vector.broadcast %mul3A_19 : f32 to vector<64x128xf32>
    %mul3A_21 = arith.mulf %mul3A_20, %div3A_18 : vector<64x128xf32>
    %add3A_22 = arith.constant 7.031250e-03 : f32
    %add3A_23 = vector.broadcast %add3A_22 : f32 to vector<64x128xf32>
    %add3A_24 = arith.addf %mul3A_21, %add3A_23 : vector<64x128xf32>
    %log3A = math.log %add3A_24 : vector<64x128xf32>
    %get3A_25 = arith.constant 0 : index
    %get3A_26 = arith.constant 0 : index
    %get3A_27 = arith.constant 0 : index
    %get3A_28 = vector.load %arg5[%get3A_25, %get3A_26, %get3A_27] : memref<64x128x128xf32, #tpu.memory_space<vmem>>, vector<64x128x128xf32>
    %broadcast_in_dim3A_29 = vector.shape_cast %log3A : vector<64x128xf32> to vector<64x1x128xf32>
    %add3A_30 = vector.broadcast %broadcast_in_dim3A_29 : vector<64x1x128xf32> to vector<64x128x128xf32>
    %add3A_31 = arith.addf %get3A_28, %add3A_30 : vector<64x128x128xf32>
    %reduce_max3A = arith.constant dense<0xFF800000> : vector<64x128xf32>
    %reduce_max3A_32 = vector.multi_reduction <maximumf>, %add3A_31, %reduce_max3A [2] : vector<64x128x128xf32> to vector<64x128xf32>
    %broadcast_in_dim3A_33 = vector.shape_cast %reduce_max3A_32 : vector<64x128xf32> to vector<64x128x1xf32>
    %iota3A = tpu.iota {dimensions = array<i32: 2>} : vector<64x128x128xi32>
    %eq3A = vector.broadcast %broadcast_in_dim3A_33 : vector<64x128x1xf32> to vector<64x128x128xf32>
    %eq3A_34 = arith.cmpf oeq, %add3A_31, %eq3A : vector<64x128x128xf32>
    %jit3A = arith.constant 128 : i32
    %broadcast_in_dim3A_35 = vector.broadcast %jit3A : i32 to vector<64x128x128xi32>
    %select_n3A = arith.select %eq3A_34, %iota3A, %broadcast_in_dim3A_35 : vector<64x128x128xi1>, vector<64x128x128xi32>
    %reduce_min3A = arith.constant dense<2147483647> : vector<64x128xi32>
    %reduce_min3A_36 = vector.multi_reduction <minsi>, %select_n3A, %reduce_min3A [2] : vector<64x128x128xi32> to vector<64x128xi32>
    %broadcast_in_dim3A_37 = vector.shape_cast %reduce_min3A_36 : vector<64x128xi32> to vector<64x128x1xi32>
    %eq3A_38 = vector.broadcast %broadcast_in_dim3A_37 : vector<64x128x1xi32> to vector<64x128x128xi32>
    %eq3A_39 = arith.cmpi eq, %iota3A, %eq3A_38 : vector<64x128x128xi32>
    %broadcast_in_dim3A_40 = vector.shape_cast %reshape3A_13 : vector<64x128xf32> to vector<64x1x128xf32>
    %jit3A_41 = arith.constant 0.000000e+00 : f32
    %broadcast_in_dim3A_42 = vector.shape_cast %broadcast_in_dim3A_40 : vector<64x1x128xf32> to vector<64x1x128xf32>
    %broadcast_in_dim3A_43 = vector.broadcast %broadcast_in_dim3A_42 : vector<64x1x128xf32> to vector<64x128x128xf32>
    %broadcast_in_dim3A_44 = vector.broadcast %jit3A_41 : f32 to vector<64x128x128xf32>
    %select_n3A_45 = arith.select %eq3A_39, %broadcast_in_dim3A_43, %broadcast_in_dim3A_44 : vector<64x128x128xi1>, vector<64x128x128xf32>
    %reduce_sum3A_46 = arith.constant dense<0.000000e+00> : vector<64x128xf32>
    %reduce_sum3A_47 = vector.multi_reduction <add>, %select_n3A_45, %reduce_sum3A_46 [2] : vector<64x128x128xf32> to vector<64x128xf32>
    %broadcast_in_dim3A_48 = vector.shape_cast %div3A_18 : vector<64x128xf32> to vector<64x1x128xf32>
    %jit3A_49 = arith.constant 0.000000e+00 : f32
    %broadcast_in_dim3A_50 = vector.shape_cast %broadcast_in_dim3A_48 : vector<64x1x128xf32> to vector<64x1x128xf32>
    %broadcast_in_dim3A_51 = vector.broadcast %broadcast_in_dim3A_50 : vector<64x1x128xf32> to vector<64x128x128xf32>
    %broadcast_in_dim3A_52 = vector.broadcast %jit3A_49 : f32 to vector<64x128x128xf32>
    %select_n3A_53 = arith.select %eq3A_39, %broadcast_in_dim3A_51, %broadcast_in_dim3A_52 : vector<64x128x128xi1>, vector<64x128x128xf32>
    %reduce_sum3A_54 = arith.constant dense<0.000000e+00> : vector<64x128xf32>
    %reduce_sum3A_55 = vector.multi_reduction <add>, %select_n3A_53, %reduce_sum3A_54 [2] : vector<64x128x128xf32> to vector<64x128xf32>
    %exp3A = math.exp %reduce_sum3A_55 : vector<64x128xf32>
    %mul3A_56 = arith.constant 1.000000e-01 : f32
    %mul3A_57 = vector.broadcast %mul3A_56 : f32 to vector<64x128xf32>
    %mul3A_58 = arith.mulf %mul3A_57, %exp3A : vector<64x128xf32>
    %add3A_59 = arith.constant 7.031250e-03 : f32
    %add3A_60 = vector.broadcast %add3A_59 : f32 to vector<64x128xf32>
    %add3A_61 = arith.addf %mul3A_58, %add3A_60 : vector<64x128xf32>
    %div3A_62 = arith.divf %exp3A, %add3A_61 : vector<64x128xf32>
    %reduce_sum3A_63 = arith.constant dense<0.000000e+00> : vector<64xf32>
    %reduce_sum3A_64 = vector.multi_reduction <add>, %div3A_62, %reduce_sum3A_63 [1] : vector<64x128xf32> to vector<64xf32>
    %broadcast_in_dim3A_65 = vector.shape_cast %reduce_sum3A_64 : vector<64xf32> to vector<64x1xf32>
    %div3A_66 = vector.broadcast %broadcast_in_dim3A_65 : vector<64x1xf32> to vector<64x128xf32>
    %div3A_67 = arith.divf %div3A_62, %div3A_66 : vector<64x128xf32>
    %swap3A = arith.constant 0 : index
    %swap3A_68 = arith.constant 0 : index
    %swap3A_69 = vector.load %arg20[%swap3A, %swap3A_68] : memref<64x128xf32, #tpu.memory_space<vmem>>, vector<64x128xf32>
    tpu.vector_store %arg20[%swap3A, %swap3A_68], %div3A_67 {strides = array<i32>} : memref<64x128xf32, #tpu.memory_space<vmem>>, vector<64x128xf32>,
    %swap3A_70 = arith.constant 0 : index
    %swap3A_71 = arith.constant 0 : index
    %swap3A_72 = vector.load %arg19[%swap3A_70, %swap3A_71] : memref<64x128xf32, #tpu.memory_space<vmem>>, vector<64x128xf32>
    tpu.vector_store %arg19[%swap3A_70, %swap3A_71], %reduce_sum3A_47 {strides = array<i32>} : memref<64x128xf32, #tpu.memory_space<vmem>>, vector<64x128xf32>,
    %get3A_73 = arith.constant 0 : index
    %get3A_74 = arith.constant 0 : index
    %get3A_75 = arith.constant 0 : index
    %get3A_76 = vector.load %arg1[%get3A_73, %get3A_74, %get3A_75] : memref<1x1x8192xf32, #tpu.memory_space<vmem>>, vector<1x1x8192xf32>
    %reshape3A_77 = vector.shape_cast %get3A_76 : vector<1x1x8192xf32> to vector<1x8192xf32>
    %get3A_78 = arith.constant 0 : index
    %get3A_79 = arith.constant 0 : index
    %get3A_80 = arith.constant 0 : index
    %get3A_81 = vector.load %arg2[%get3A_78, %get3A_79, %get3A_80] : memref<1x1x8192xf32, #tpu.memory_space<vmem>>, vector<1x1x8192xf32>
    %reshape3A_82 = vector.shape_cast %get3A_81 : vector<1x1x8192xf32> to vector<1x8192xf32>
    %get3A_83 = arith.constant 0 : index
    %get3A_84 = arith.constant 0 : index
    %get3A_85 = vector.load %arg3[%get3A_83, %get3A_84] : memref<16x8192xf32, #tpu.memory_space<vmem>>, vector<16x8192xf32>
    %get3A_86 = arith.constant 0 : index
    %get3A_87 = arith.constant 0 : index
    %get3A_88 = vector.load %arg6[%get3A_86, %get3A_87] : memref<104x2xf32, #tpu.memory_space<vmem>>, vector<104x1xf32>
    %mul3A_89 = vector.broadcast %reshape3A_77 : vector<1x8192xf32> to vector<104x8192xf32>
    %mul3A_90 = vector.broadcast %get3A_88 : vector<104x1xf32> to vector<104x8192xf32>
    %mul3A_91 = arith.mulf %mul3A_89, %mul3A_90 : vector<104x8192xf32>
    %get3A_92 = arith.constant 0 : index
    %get3A_93 = arith.constant 1 : index
    %get3A_94 = vector.load %arg6[%get3A_92, %get3A_93] : memref<104x2xf32, #tpu.memory_space<vmem>>, vector<104x1xf32>
    %mul3A_95 = vector.broadcast %reshape3A_82 : vector<1x8192xf32> to vector<104x8192xf32>
    %mul3A_96 = vector.broadcast %get3A_94 : vector<104x1xf32> to vector<104x8192xf32>
    %mul3A_97 = arith.mulf %mul3A_95, %mul3A_96 : vector<104x8192xf32>
    %add3A_98 = arith.addf %mul3A_91, %mul3A_97 : vector<104x8192xf32>
    %get3A_99 = arith.constant 0 : index
    %get3A_100 = arith.constant 0 : index
    %get3A_101 = vector.load %arg7[%get3A_99, %get3A_100] : memref<104x1xf32, #tpu.memory_space<vmem>>, vector<104x1xf32>
    %add3A_102 = vector.broadcast %get3A_101 : vector<104x1xf32> to vector<104x8192xf32>
    %add3A_103 = arith.addf %add3A_98, %add3A_102 : vector<104x8192xf32>
    %mul3A_104 = arith.constant 5.000000e-01 : f32
    %mul3A_105 = vector.broadcast %mul3A_104 : f32 to vector<104x8192xf32>
    %mul3A_106 = arith.mulf %mul3A_105, %add3A_103 : vector<104x8192xf32>
    %tanh3A = math.tanh %mul3A_106 : vector<104x8192xf32>
    %mul3A_107 = arith.constant 5.000000e-01 : f32
    %mul3A_108 = vector.broadcast %mul3A_107 : f32 to vector<104x8192xf32>
    %mul3A_109 = arith.mulf %mul3A_108, %tanh3A : vector<104x8192xf32>
    %add3A_110 = arith.constant 5.000000e-01 : f32
    %add3A_111 = vector.broadcast %add3A_110 : f32 to vector<104x8192xf32>
    %add3A_112 = arith.addf %mul3A_109, %add3A_111 : vector<104x8192xf32>
    %get3A_113 = arith.constant 0 : index
    %get3A_114 = arith.constant 0 : index
    %get3A_115 = vector.load %arg8[%get3A_113, %get3A_114] : memref<104x104xf32, #tpu.memory_space<vmem>>, vector<104x104xf32>
    %dot_general3A = arith.constant dense<0.000000e+00> : vector<104x8192xf32>
    %dot_general3A_116 = tpu.matmul %get3A_115, %add3A_112, %dot_general3A {dimension_numbers = #tpu.dot_dimension_numbers<[1], [0], [0], [1], [0, 0, 1, 1], [], []>, transpose_lhs_hint = false} : vector<104x104xf32>, vector<104x8192xf32>, vector<104x8192xf32> -> vector<104x8192xf32>
    %get3A_117 = arith.constant 0 : index
    %get3A_118 = arith.constant 0 : index
    %get3A_119 = vector.load %arg9[%get3A_117, %get3A_118] : memref<104x1xf32, #tpu.memory_space<vmem>>, vector<104x1xf32>
    %add3A_120 = vector.broadcast %get3A_119 : vector<104x1xf32> to vector<104x8192xf32>
    %add3A_121 = arith.addf %dot_general3A_116, %add3A_120 : vector<104x8192xf32>
    %mul3A_122 = arith.constant 5.000000e-01 : f32
    %mul3A_123 = vector.broadcast %mul3A_122 : f32 to vector<104x8192xf32>
    %mul3A_124 = arith.mulf %mul3A_123, %add3A_121 : vector<104x8192xf32>
    %tanh3A_125 = math.tanh %mul3A_124 : vector<104x8192xf32>
    %mul3A_126 = arith.constant 5.000000e-01 : f32
    %mul3A_127 = vector.broadcast %mul3A_126 : f32 to vector<104x8192xf32>
    %mul3A_128 = arith.mulf %mul3A_127, %tanh3A_125 : vector<104x8192xf32>
    %add3A_129 = arith.constant 5.000000e-01 : f32
    %add3A_130 = vector.broadcast %add3A_129 : f32 to vector<104x8192xf32>
    %add3A_131 = arith.addf %mul3A_128, %add3A_130 : vector<104x8192xf32>
    %get3A_132 = arith.constant 0 : index
    %get3A_133 = arith.constant 0 : index
    %get3A_134 = vector.load %arg10[%get3A_132, %get3A_133] : memref<104x1xf32, #tpu.memory_space<vmem>>, vector<104x1xf32>
    %mul3A_135 = vector.broadcast %get3A_134 : vector<104x1xf32> to vector<104x8192xf32>
    %mul3A_136 = arith.mulf %add3A_131, %mul3A_135 : vector<104x8192xf32>
    %reduce_sum3A_137 = arith.constant dense<0.000000e+00> : vector<8192xf32>
    %reduce_sum3A_138 = vector.multi_reduction <add>, %mul3A_136, %reduce_sum3A_137 [0] : vector<104x8192xf32> to vector<8192xf32>
    %broadcast_in_dim3A_139 = vector.shape_cast %reduce_sum3A_138 : vector<8192xf32> to vector<1x8192xf32>
    %get3A_140 = arith.constant 0 : index
    %get3A_141 = arith.constant 0 : index
    %get3A_142 = vector.load %arg11[%get3A_140, %get3A_141] : memref<1x1xf32, #tpu.memory_space<vmem>>, vector<1x1xf32>
    %get3A_143 = vector.extract %get3A_142[0, 0] : f32 from vector<1x1xf32>
    %add3A_144 = vector.broadcast %get3A_143 : f32 to vector<1x8192xf32>
    %add3A_145 = arith.addf %broadcast_in_dim3A_139, %add3A_144 : vector<1x8192xf32>
    %get3A_146 = arith.constant 0 : index
    %get3A_147 = arith.constant 0 : index
    %get3A_148 = vector.load %arg12[%get3A_146, %get3A_147] : memref<104x1xf32, #tpu.memory_space<vmem>>, vector<104x1xf32>
    %mul3A_149 = vector.broadcast %add3A_145 : vector<1x8192xf32> to vector<104x8192xf32>
    %mul3A_150 = vector.broadcast %get3A_148 : vector<104x1xf32> to vector<104x8192xf32>
    %mul3A_151 = arith.mulf %mul3A_149, %mul3A_150 : vector<104x8192xf32>
    %get3A_152 = arith.constant 0 : index
    %get3A_153 = arith.constant 0 : index
    %get3A_154 = vector.load %arg13[%get3A_152, %get3A_153] : memref<104x16xf32, #tpu.memory_space<vmem>>, vector<104x16xf32>
    %dot_general3A_155 = arith.constant dense<0.000000e+00> : vector<104x8192xf32>
    %dot_general3A_156 = tpu.matmul %get3A_154, %get3A_85, %dot_general3A_155 {dimension_numbers = #tpu.dot_dimension_numbers<[1], [0], [0], [1], [0, 0, 1, 1], [], []>, transpose_lhs_hint = false} : vector<104x16xf32>, vector<16x8192xf32>, vector<104x8192xf32> -> vector<104x8192xf32>
    %add3A_157 = arith.addf %mul3A_151, %dot_general3A_156 : vector<104x8192xf32>
    %get3A_158 = arith.constant 0 : index
    %get3A_159 = arith.constant 0 : index
    %get3A_160 = vector.load %arg14[%get3A_158, %get3A_159] : memref<104x1xf32, #tpu.memory_space<vmem>>, vector<104x1xf32>
    %add3A_161 = vector.broadcast %get3A_160 : vector<104x1xf32> to vector<104x8192xf32>
    %add3A_162 = arith.addf %add3A_157, %add3A_161 : vector<104x8192xf32>
    %mul3A_163 = arith.constant 5.000000e-01 : f32
    %mul3A_164 = vector.broadcast %mul3A_163 : f32 to vector<104x8192xf32>
    %mul3A_165 = arith.mulf %mul3A_164, %add3A_162 : vector<104x8192xf32>
    %tanh3A_166 = math.tanh %mul3A_165 : vector<104x8192xf32>
    %mul3A_167 = arith.constant 5.000000e-01 : f32
    %mul3A_168 = vector.broadcast %mul3A_167 : f32 to vector<104x8192xf32>
    %mul3A_169 = arith.mulf %mul3A_168, %tanh3A_166 : vector<104x8192xf32>
    %add3A_170 = arith.constant 5.000000e-01 : f32
    %add3A_171 = vector.broadcast %add3A_170 : f32 to vector<104x8192xf32>
    %add3A_172 = arith.addf %mul3A_169, %add3A_171 : vector<104x8192xf32>
    %get3A_173 = arith.constant 0 : index
    %get3A_174 = arith.constant 0 : index
    %get3A_175 = vector.load %arg15[%get3A_173, %get3A_174] : memref<104x104xf32, #tpu.memory_space<vmem>>, vector<104x104xf32>
    %dot_general3A_176 = arith.constant dense<0.000000e+00> : vector<104x8192xf32>
    %dot_general3A_177 = tpu.matmul %get3A_175, %add3A_172, %dot_general3A_176 {dimension_numbers = #tpu.dot_dimension_numbers<[1], [0], [0], [1], [0, 0, 1, 1], [], []>, transpose_lhs_hint = false} : vector<104x104xf32>, vector<104x8192xf32>, vector<104x8192xf32> -> vector<104x8192xf32>
    %get3A_178 = arith.constant 0 : index
    %get3A_179 = arith.constant 0 : index
    %get3A_180 = vector.load %arg16[%get3A_178, %get3A_179] : memref<104x1xf32, #tpu.memory_space<vmem>>, vector<104x1xf32>
    %add3A_181 = vector.broadcast %get3A_180 : vector<104x1xf32> to vector<104x8192xf32>
    %add3A_182 = arith.addf %dot_general3A_177, %add3A_181 : vector<104x8192xf32>
    %mul3A_183 = arith.constant 5.000000e-01 : f32
    %mul3A_184 = vector.broadcast %mul3A_183 : f32 to vector<104x8192xf32>
    %mul3A_185 = arith.mulf %mul3A_184, %add3A_182 : vector<104x8192xf32>
    %tanh3A_186 = math.tanh %mul3A_185 : vector<104x8192xf32>
    %mul3A_187 = arith.constant 5.000000e-01 : f32
    %mul3A_188 = vector.broadcast %mul3A_187 : f32 to vector<104x8192xf32>
    %mul3A_189 = arith.mulf %mul3A_188, %tanh3A_186 : vector<104x8192xf32>
    %add3A_190 = arith.constant 5.000000e-01 : f32
    %add3A_191 = vector.broadcast %add3A_190 : f32 to vector<104x8192xf32>
    %add3A_192 = arith.addf %mul3A_189, %add3A_191 : vector<104x8192xf32>
    %get3A_193 = arith.constant 0 : index
    %get3A_194 = arith.constant 0 : index
    %get3A_195 = vector.load %arg17[%get3A_193, %get3A_194] : memref<104x1xf32, #tpu.memory_space<vmem>>, vector<104x1xf32>
    %mul3A_196 = vector.broadcast %get3A_195 : vector<104x1xf32> to vector<104x8192xf32>
    %mul3A_197 = arith.mulf %add3A_192, %mul3A_196 : vector<104x8192xf32>
    %reduce_sum3A_198 = arith.constant dense<0.000000e+00> : vector<8192xf32>
    %reduce_sum3A_199 = vector.multi_reduction <add>, %mul3A_197, %reduce_sum3A_198 [0] : vector<104x8192xf32> to vector<8192xf32>
    %broadcast_in_dim3A_200 = vector.shape_cast %reduce_sum3A_199 : vector<8192xf32> to vector<1x8192xf32>
    %get3A_201 = arith.constant 0 : index
    %get3A_202 = arith.constant 0 : index
    %get3A_203 = vector.load %arg18[%get3A_201, %get3A_202] : memref<1x1xf32, #tpu.memory_space<vmem>>, vector<1x1xf32>
    %get3A_204 = vector.extract %get3A_203[0, 0] : f32 from vector<1x1xf32>
    %add3A_205 = vector.broadcast %get3A_204 : f32 to vector<1x8192xf32>
    %add3A_206 = arith.addf %broadcast_in_dim3A_200, %add3A_205 : vector<1x8192xf32>
    %swap3A_207 = arith.index_cast %rem3A_0 : i32 to index
    %swap3A_208 = arith.constant 0 : index
    %swap3A_209 = arith.constant 0 : index
    %swap3A_210 = vector.load %arg21[%swap3A_207, %swap3A_208, %swap3A_209] : memref<2x1x8192xf32, #tpu.memory_space<vmem>>, vector<1x1x8192xf32>
    %swap3A_211 = vector.shape_cast %swap3A_210 : vector<1x1x8192xf32> to vector<1x8192xf32>
    %swap3A_212 = vector.shape_cast %add3A_145 : vector<1x8192xf32> to vector<1x1x8192xf32>
    tpu.vector_store %arg21[%swap3A_207, %swap3A_208, %swap3A_209], %swap3A_212 {strides = array<i32>} : memref<2x1x8192xf32, #tpu.memory_space<vmem>>, vector<1x1x8192xf32>,
    %mul3A_213 = arith.constant 5.000000e-01 : f32
    %mul3A_214 = vector.broadcast %mul3A_213 : f32 to vector<1x8192xf32>
    %mul3A_215 = arith.mulf %mul3A_214, %add3A_206 : vector<1x8192xf32>
    %tanh3A_216 = math.tanh %mul3A_215 : vector<1x8192xf32>
    %mul3A_217 = arith.constant 5.000000e-01 : f32
    %mul3A_218 = vector.broadcast %mul3A_217 : f32 to vector<1x8192xf32>
    %mul3A_219 = arith.mulf %mul3A_218, %tanh3A_216 : vector<1x8192xf32>
    %add3A_220 = arith.constant 5.000000e-01 : f32
    %add3A_221 = vector.broadcast %add3A_220 : f32 to vector<1x8192xf32>
    %add3A_222 = arith.addf %mul3A_219, %add3A_221 : vector<1x8192xf32>
    %swap3A_223 = arith.index_cast %rem3A_0 : i32 to index
    %swap3A_224 = arith.constant 0 : index
    %swap3A_225 = arith.constant 0 : index
    %swap3A_226 = vector.load %arg22[%swap3A_223, %swap3A_224, %swap3A_225] : memref<2x1x8192xf32, #tpu.memory_space<vmem>>, vector<1x1x8192xf32>
    %swap3A_227 = vector.shape_cast %swap3A_226 : vector<1x1x8192xf32> to vector<1x8192xf32>
    %swap3A_228 = vector.shape_cast %add3A_222 : vector<1x8192xf32> to vector<1x1x8192xf32>
    tpu.vector_store %arg22[%swap3A_223, %swap3A_224, %swap3A_225], %swap3A_228 {strides = array<i32>} : memref<2x1x8192xf32, #tpu.memory_space<vmem>>, vector<1x1x8192xf32>,
    return
  }
  func.func @transform_0(%arg0: i32) -> (i32, i32, i32) {
    %min3A = arith.constant 63 : i32
    %min3A_0 = arith.minsi %arg0, %min3A : i32
    %c0_i32 = arith.constant 0 : i32
    %c0_i32_1 = arith.constant 0 : i32
    %c0_i32_2 = arith.constant 0 : i32
    return %min3A_0, %c0_i32, %c0_i32_1 : i32, i32, i32
  }
  func.func @transform_1(%arg0: i32) -> (i32, i32, i32) {
    %min3A = arith.constant 63 : i32
    %min3A_0 = arith.minsi %arg0, %min3A : i32
    %c0_i32 = arith.constant 0 : i32
    %c0_i32_1 = arith.constant 0 : i32
    %c0_i32_2 = arith.constant 0 : i32
    return %min3A_0, %c0_i32, %c0_i32_1 : i32, i32, i32
  }
  func.func @transform_2(%arg0: i32) -> (i32, i32) {
    %min3A = arith.constant 63 : i32
    %min3A_0 = arith.minsi %arg0, %min3A : i32
    %c0_i32 = arith.constant 0 : i32
    %c0_i32_1 = arith.constant 0 : i32
    return %c0_i32, %min3A_0 : i32, i32
  }
  func.func @transform_3(%arg0: i32) -> (i32, i32) {
    %sub3A = arith.constant 1 : i32
    %sub3A_0 = arith.subi %arg0, %sub3A : i32
    %max3A = arith.constant 0 : i32
    %max3A_1 = arith.maxsi %sub3A_0, %max3A : i32
    %c0_i32 = arith.constant 0 : i32
    %c0_i32_2 = arith.constant 0 : i32
    return %max3A_1, %c0_i32 : i32, i32
  }
  func.func @transform_4(%arg0: i32) -> (i32, i32, i32) {
    %sub3A = arith.constant 1 : i32
    %sub3A_0 = arith.subi %arg0, %sub3A : i32
    %max3A = arith.constant 0 : i32
    %max3A_1 = arith.maxsi %sub3A_0, %max3A : i32
    %c0_i32 = arith.constant 0 : i32
    %c0_i32_2 = arith.constant 0 : i32
    %c0_i32_3 = arith.constant 0 : i32
    return %max3A_1, %c0_i32, %c0_i32_2 : i32, i32, i32
  }
  func.func @transform_5(%arg0: i32) -> (i32, i32) {
    %c0_i32 = arith.constant 0 : i32
    %c0_i32_0 = arith.constant 0 : i32
    %c0_i32_1 = arith.constant 0 : i32
    return %c0_i32, %c0_i32_0 : i32, i32
  }
  func.func @transform_6(%arg0: i32) -> (i32, i32) {
    %c0_i32 = arith.constant 0 : i32
    %c0_i32_0 = arith.constant 0 : i32
    %c0_i32_1 = arith.constant 0 : i32
    return %c0_i32, %c0_i32_0 : i32, i32
  }
  func.func @transform_7(%arg0: i32) -> (i32, i32) {
    %c0_i32 = arith.constant 0 : i32
    %c0_i32_0 = arith.constant 0 : i32
    %c0_i32_1 = arith.constant 0 : i32
    return %c0_i32, %c0_i32_0 : i32, i32
  }
  func.func @transform_8(%arg0: i32) -> (i32, i32) {
    %c0_i32 = arith.constant 0 : i32
    %c0_i32_0 = arith.constant 0 : i32
    %c0_i32_1 = arith.constant 0 : i32
    return %c0_i32, %c0_i32_0 : i32, i32
  }
  func.func @transform_9(%arg0: i32) -> (i32, i32) {
    %c0_i32 = arith.constant 0 : i32
    %c0_i32_0 = arith.constant 0 : i32
    %c0_i32_1 = arith.constant 0 : i32
    return %c0_i32, %c0_i32_0 : i32, i32
  }
  func.func @transform_10(%arg0: i32) -> (i32, i32) {
    %c0_i32 = arith.constant 0 : i32
    %c0_i32_0 = arith.constant 0 : i32
    %c0_i32_1 = arith.constant 0 : i32
    return %c0_i32, %c0_i32_0 : i32, i32
  }
  func.func @transform_11(%arg0: i32) -> (i32, i32) {
    %c0_i32 = arith.constant 0 : i32
    %c0_i32_0 = arith.constant 0 : i32
    %c0_i32_1 = arith.constant 0 : i32
    return %c0_i32, %c0_i32_0 : i32, i32
  }
  func.func @transform_12(%arg0: i32) -> (i32, i32) {
    %c0_i32 = arith.constant 0 : i32
    %c0_i32_0 = arith.constant 0 : i32
    %c0_i32_1 = arith.constant 0 : i32
    return %c0_i32, %c0_i32_0 : i32, i32
  }
  func.func @transform_13(%arg0: i32) -> (i32, i32) {
    %c0_i32 = arith.constant 0 : i32
    %c0_i32_0 = arith.constant 0 : i32
    %c0_i32_1 = arith.constant 0 : i32
    return %c0_i32, %c0_i32_0 : i32, i32
  }
  func.func @transform_14(%arg0: i32) -> (i32, i32) {
    %c0_i32 = arith.constant 0 : i32
    %c0_i32_0 = arith.constant 0 : i32
    %c0_i32_1 = arith.constant 0 : i32
    return %c0_i32, %c0_i32_0 : i32, i32
  }
  func.func @transform_15(%arg0: i32) -> (i32, i32) {
    %c0_i32 = arith.constant 0 : i32
    %c0_i32_0 = arith.constant 0 : i32
    %c0_i32_1 = arith.constant 0 : i32
    return %c0_i32, %c0_i32_0 : i32, i32
  }
  func.func @transform_16(%arg0: i32) -> (i32, i32) {
    %c0_i32 = arith.constant 0 : i32
    %c0_i32_0 = arith.constant 0 : i32
    %c0_i32_1 = arith.constant 0 : i32
    return %c0_i32, %c0_i32_0 : i32, i32
  }
  func.func @transform_17(%arg0: i32) -> (i32, i32) {
    %c0_i32 = arith.constant 0 : i32
    %c0_i32_0 = arith.constant 0 : i32
    %c0_i32_1 = arith.constant 0 : i32
    return %c0_i32, %c0_i32_0 : i32, i32
  }
  func.func @transform_18(%arg0: i32) -> (i32, i32) {
    %sub3A = arith.constant 1 : i32
    %sub3A_0 = arith.subi %arg0, %sub3A : i32
    %max3A = arith.constant 0 : i32
    %max3A_1 = arith.maxsi %sub3A_0, %max3A : i32
    %c0_i32 = arith.constant 0 : i32
    %c0_i32_2 = arith.constant 0 : i32
    return %max3A_1, %c0_i32 : i32, i32
  }
  func.func @transform_19(%arg0: i32) -> (i32, i32) {
    %sub3A = arith.constant 1 : i32
    %sub3A_0 = arith.subi %arg0, %sub3A : i32
    %max3A = arith.constant 0 : i32
    %max3A_1 = arith.maxsi %sub3A_0, %max3A : i32
    %c0_i32 = arith.constant 0 : i32
    %c0_i32_2 = arith.constant 0 : i32
    return %max3A_1, %c0_i32 : i32, i32
  }
}

</mosaic_0001>

<sc_bundles>
// kernel: sparse-core-data-format-call.1.cloned.1.call-start
scs
called_computation.1_lowered:
.L_overlay_start_0:
0x0: {  	s1 =	sld [smem:$0x3FD9]  }
0x1: {  	s2 =	sld [smem:$0x3FFE];
	_ =	sdelay $0x1  }
0x2: {  	s3 =	srdreg.scid  }
0x3: {  	s0 =	sand.u32 $0x1, s3  }
0x4: {  	s17 =	sshll.u32 s0, $0xA;
	s1 =	sadd.s32 s2, s1  }
0x5: {  	s1 =	sadd.s32 s1, s17  }
0x6: {  	[smem:$0x3FB9] =	sst s1  }
0x7: {  	_ = 	snop  }
0x8: {  	(tm) =	ssettm $0x1  }
0x9: {  	s18 =	sld [smem:$0x3FFB];
	_ =	sdelay $0x3  }
0xa: {  	_ =	strace s18  }
0xb: {  	s1 =	sld [smem:$0x3FFC];
	_ =	sdelay $0x3  }
0xc: {  	_ =	strace s1  }
0xd: {  	s1 =	sld [smem:$0x3FFD];
	_ =	sdelay $0x3  }
0xe: {  	_ =	strace s1  }
0xf: {  	_ =	strace $0x8FFFFFFF  }
0x10: {  	s19 =	sld [smem:$0x3FDB];
	_ =	sdelay $0x1  }
0x11: {  	s20 =	simm.s32 $_scs_section_size  }
0x12: {  	s4 =	simm.s32 $_size__tile_overlayer_lowered;
	s5 =	simm.s32 $_tile_overlayer_lowered  }
0x13: {  	s23 =	simm.s32 $0x1BFF;
	s22 =	sshll.u32 s5, $0x1;
	s1 =	sadd.s32 s20, s19  }
0x14: {  	s6 =	simm.s32 $0x0;
	s21 =	sshll.u32 s4, $0x1;
	s4 =	sadd.s32 s22, s1  }
0x15: {  	[timem:s6], [sflag:s23] =	dma.local [hbm:s4], s21  }
0x16: {  	_ =	swait.ge [sflag:s23], s21  }
0x17: {  	s2 =	ssub.s32 $0x0, s21;
	[sflag:s23] =	ssyncset.done $0x0  }
0x18: {  	[sflag:s23] =	ssyncadd.s32 s2;
	_ =	sdelay $0x1  }
0x19: {  	s24 =	simm.s32 $0x1B8B  }
0x1a: {  	_ =	swait.ge [sflag:s24], $0x1  }
0x1b: {  	[sflag:s24] =	ssyncset.done $0x0  }
0x1c: {  	s26 =	simm.s32 $0x1B8E;
	s25 =	sld [smem:$0x3FFE];
	[sflag:s24] =	ssyncadd.s32 $0xFFFFFFFF  }
0x1d: {  	s27 =	simm.s32 $execute0_lowered;
	[smem:$0x3FD2] =	sst s26  }
0x1e: {  	s4 =	sshll.u32 s27, $0x1;
	_ =	strace $0x80000049;
	[dreg:$0x1] =	wrdreg $0xFFFFFFFF  }
0x1f: {  	s28 =	simm.s32 $_size_execute0_lowered;
	s1 =	sadd.s32 s1, s4;
	[dreg:$0x0] =	wrdreg $0x0  }
0x20: {  	s4 =	sshll.u32 s28, $0x1;
	[dreg:$0x2] =	wrdreg s1  }
0x21: {  	[dreg:$0x3] =	wrdreg s4  }
0x22: {  	[dreg:$0x4] =	wrdreg $0xC0  }
0x23: {  	_ =	task [dreg:s6], $0x5FFFF  }
0x24: {  	[dreg:$0x1] =	wrdreg $0xFFFFFFFF  }
0x25: {  	[dreg:$0x0] =	wrdreg $0x60  }
0x26: {  	[dreg:$0x2] =	wrdreg s25  }
0x27: {  	[dreg:$0x3] =	wrdreg $0x9  }
0x28: {  	_ =	task.clear_ibuf [dreg:s6], $0x4FFFF;
	_ =	strace $0x90000049  }
0x29: {  	s29 =	simm.s32 $0x9;
	_ =	strace $0x8000004B  }
0x2a: {  	_ =	swait.ge [sflag:s29], $0x1  }
0x2b: {  	[sflag:s29] =	ssyncadd.s32 $0xFFFFFFFF  }
0x2c: {  	_ =	strace $0x9000004B  }
0x2d: {  	_ =	sfence  }
0x2e: {  	s30 =	sld [smem:$0x0];
	_ =	sdelay $0x2  }
0x2f: {  	s31 =	sshll.u32 s3, $0xD;
	s3 =	sshrl.u32 s3, $0x2  }
0x30: {  	s2 =	sand.u32 $0x4000, s31;
	s1 =	sadd.s32 s3, s30  }
0x31: {  	s0 =	sor.u32 s2, s0;
	s1 =	sshll.u32 s1, $0x11  }
0x32: {  	s0 =	sor.u32 s1, s0  }
0x33: {  	s0 =	sadd.s32 $0x8F2B, s0  }
0x34: {  	[sflag:s0] =	ssyncadd.remote.s32 $0x1  }
0x35: {  	_ =	sfence.sel $0xFFFF  }
0x36: {  	[dreg:$0x0] =	wrdreg $0xFFFFFFFF;
	(pc) =	sbr.abs _section_cstart, $3  }
0x37: {  	[dreg:$0x1] =	wrdreg $0xFFFFFFFF  }
0x38: {  	_ =	task.clear_ibuf [dreg:s6], $0x2FFFF;
	_ =	strace $0x9FFFFFFF  }
0x39: {  	(tm) =	ssettm $0x7FFFFFFF  }
tec
execute0_lowered:
.L_overlay_start_1:
0x0: {  	(tag) =	ssettag $0x1  }
0x1: {  	s0 =	srdreg.scid  }
0x2: {  	s1 =	rddreg [dreg:$0x0];
	s5 =	simm.s32 $0x1;
	s8 =	simm.s32 $0x2  }
0x3: {  	s14 =	simm.s32 $0x0;
	p0 =	por $0x0, $0x0;
	s12 =	simm.s32 $0x0  }
0x4: {  	s13 =	simm.s32 $0x0;
	s9 =	simm.s32 $0x0;
	s2 =	sshll.u32 s0, $0x7  }
0x5: {  	s10 =	stileid.u32;
	s11 =	simm.s32 $0x0;
	s2 =	sand.u32 $0x80, s2  }
.Ltmp0:
0x6: {  	s0 =	rddreg [dreg:$0x1];
	s6 =	ssub.s32 $0x1000, s2;
	(pc) =	sbr.rel .LBB1_1-.Ltmp0, $4  }
0x7: {  	_ =	strace $0x8000004A;
	s3 =	sadd.s32 $0x1E00, s1;
	s7 =	sshrl.u32 s6, $0x7  }
0x8: {  	s4 =	sadd.s32 $0x101E00, s1;
	s6 =	sshrl.u32 s6, $0x8;
	s7 =	sand.u32 $0x1, s7  }
0x9: {  	s1 =	stileid.u32;
	[sflag:s5] =	ssyncpa.u1 $0x0;
	s6 =	sadd.s32 s6, s7  }
0xa: {  	[sflag:s8] =	ssyncpa.u1 $0x0;
	s8 =	smov.u32 s2;
	s7 =	sadd.s32 $0x1, s6  }
.LBB1_4:
0xb: {  	v5 =	vld [tilespmem:s18+$0xFFFFFFD0];
	[tilespmem:s17+$0x2040 ss:$0x81] =	vst.msk $0xffff, v1  }
0xc: {  	v58 =	vld [tilespmem:s18+$0xFFFFFFE0];
	[tilespmem:s17+$0x2850 ss:$0x81] =	vst.msk $0xffff, v2  }
0xd: {  	s19 =	sshra.s32 s19, $0x2;
	v59 =	vld [tilespmem:s18+$0xFFFFFFF0];
	[tilespmem:s17+$0x3060 ss:$0x81] =	vst.msk $0xffff, v3  }
0xe: {  	v60 =	vld [tilespmem:s18+$0x0];
	[tilespmem:s17+$0x0 ss:$0x81] =	vst.msk $0xffff, v0;
	s16 =	sadd.s32 s19, s16  }
0xf: {  	v61 =	vld [tilespmem:s18+$0x10];
	[tilespmem:s16+$0x3870 ss:$0x81] =	vst.msk $0xffff, v4  }
0x10: {  	v62 =	vld [tilespmem:s18+$0x20];
	s14 =	sshll.u32 s14, $0x7;
	s28 =	sshll.u32 s12, $0x3;
	[tilespmem:s16+$0x810 ss:$0x81] =	vst.msk $0xffff, v5  }
0x11: {  	v63 =	vld [tilespmem:s18+$0xFFFFFFC0];
	s29 =	sand.u32 $0x7FC00, s14;
	s17 =	sand.u32 $0x7FC00, s28;
	[tilespmem:s16+$0x1020 ss:$0x81] =	vst.msk $0xffff, v58  }
0x12: {  	s14 =	sand.u32 $0x380, s14;
	s17 =	sadd.s32 s17, s29;
	[tilespmem:s16+$0x1830 ss:$0x81] =	vst.msk $0xffff, v59  }
0x13: {  	s13 =	sshll.u32 s13, $0x10;
	s30 =	sshrl.u32 s12, $0x3;
	s14 =	sor.u32 s14, s17;
	[tilespmem:s16+$0x2040 ss:$0x81] =	vst.msk $0xffff, v60  }
0x14: {  	s13 =	sadd.s32 s4, s13;
	s17 =	sand.u32 $0xF, s30;
	s14 =	sshrl.u32 s14, $0x3;
	[tilespmem:s16+$0x2850 ss:$0x81] =	vst.msk $0xffff, v61  }
0x15: {  	s13 =	sadd.s32 s17, s13;
	[tilespmem:s16+$0x3060 ss:$0x81] =	vst.msk $0xffff, v62;
	s14 =	sand.u32 $0xFFF0, s14  }
0x16: {  	s31 =	sand.u32 $0x7, s12;
	[tilespmem:s16+$0x0 ss:$0x81] =	vst.msk $0xffff, v63;
	s13 =	sadd.s32 s14, s13  }
0x17: {  	[hbm4b:s13+s31] =	stream.linear.scatter [tilespmem:s15], [sflag:$0x2], $0x4000, $0x20;
	[tilespmem:$0x10100] =	vst v63  }
.LBB1_5:
0x18: {  	s15 =	sadd.s32 $0x100, s8  }
0x19: {  	s12 =	sadd.s32 $0x80, s9;
	s16 =	smov.u32 s9;
	p2 =	sgt.s32 s15, $0xFFF  }
0x1a: {  	s16 =	smov.u32 @p2 s12  }
0x1b: {  	s18 =	smov.u32 s10;
	s12 =	sadd.s32 $0x10, s10;
	p3 =	sgt.s32 s16, $0x7F  }
0x1c: {  	s18 =	smov.u32 @p3 s12  }
0x1d: {  	s15 =	smov.u32 @p2 s2;
	p2 =	sgt.s32 s18, $0xF  }
0x1e: {  	p1 =	slt.u32 s11, $0x2;
	s18 =	smov.u32 @p2 s1;
	p2 =	sne.s32 s11, s7  }
.Ltmp1:
0x1f: {  	s17 =	simm.s32 @!p1 $0x2;
	(pc) =	sbr.rel @!p2 .LBB1_6-.Ltmp1, $4  }
0x20: {  	s14 =	smov.u32 s8;
	s13 =	smov.u32 s10;
	_ =	swait.ge @!p1 [sflag:s17], $0x4000  }
0x21: {  	p0 =	por !p0, !p0;
	[sflag:s17] =	ssyncset.done @!p1 $0x0;
	s8 =	smov.u32 s15  }
0x22: {  	s16 =	simm.s32 @p3 $0x0;
	s12 =	smov.u32 s9;
	[sflag:s17] =	ssyncadd.s32 @!p1 $0xFFFFC000  }
0x23: {  	s9 =	smov.u32 s16;
	s11 =	sadd.s32 $0x1, s11;
	s10 =	smov.u32 s18  }
.LBB1_1:
0x24: {  	p1 =	sge.u32 s11, s6;
	s31 =	sadd.s32 $0xFFFFFFFF, s11  }
0x25: {  	s15 =	sxor.u32 @!p1 $0xFFFFFFFF, s11;
	s16 =	sand.u32 @!p1 $0x78, s8;
	s17 =	sshll.u32 @!p1 s9, $0xC  }
0x26: {  	s18 =	sshll.u32 @!p1 s9, $0x7;
	s19 =	sshll.u32 @!p1 s8, $0x3;
	s15 =	sshll.u32 @!p1 s15, $0xE  }
0x27: {  	s17 =	sand.u32 @!p1 $0x78000, s17;
	s18 =	sand.u32 @!p1 $0x380, s18;
	s15 =	sand.u32 @!p1 $0x4000, s15  }
0x28: {  	s17 =	sadd.s32 @!p1 s17, s19;
	s19 =	sand.u32 @!p1 $0xC00, s19;
	s16 =	sor.u32 @!p1 s18, s16  }
0x29: {  	s18 =	sshll.u32 @!p1 s10, $0x10;
	s16 =	sor.u32 @!p1 s19, s16;
	s17 =	sshrl.u32 @!p1 s17, $0x3  }
0x2a: {  	s18 =	sadd.s32 @!p1 s3, s18;
	s19 =	sand.u32 @!p1 $0x7, s8;
	s17 =	sand.u32 @!p1 $0xFE00, s17  }
0x2b: {  	s16 =	sshrl.u32 @!p1 s16, $0x3;
	s17 =	sadd.s32 @!p1 s17, s18;
	s18 =	sshll.u32 @!p1 s19, $0x12  }
0x2c: {  	s16 =	sadd.s32 @!p1 s16, s17;
	s17 =	sor.u32 @!p1 $0x400, s18;
	s18 =	simm.s32 @!p1 $0x8000  }
0x2d: {  	[tilespmem:s15], [sflag:$0x1] =	stream.strided.gather @!p1 [hbm4b:s16+s17], $0x4000, s18, s17, $0x38;
	[tilespmem:$0x10100] =	vst v63  }
0x2e: {  	p1 =	sge.u32 s31, s6  }
.Ltmp2:
0x2f: {  	_ = 	snop;
	(pc) =	sbr.rel @p1 .LBB1_5-.Ltmp2, $1  }
0x30: {  	_ =	sdelay $0x3  }
0x31: {  	s15 =	simm.s32 $0x1  }
0x32: {  	_ =	swait.ge [sflag:s5], $0x4000;
	s15 =	simm.s32 @!p0 $0x0  }
0x33: {  	[sflag:s5] =	ssyncset.done $0x0;
	s16 =	sshll.u32 s15, $0xE  }
0x34: {  	[sflag:s5] =	ssyncadd.s32 $0xFFFFC000;
	s18 =	sor.u32 $0x40, s16  }
0x35: {  	s15 =	smul.u32 $0x10200, s15;
	v0 =	vld [tilespmem:s18+$0x30]  }
0x36: {  	v3 =	vld [tilespmem:s18+$0xFFFFFFD0]  }
0x37: {  	s15 =	sshrl.u32 s15, $0x2;
	v4 =	vld [tilespmem:s18+$0xFFFFFFE0]  }
0x38: {  	v5 =	vld [tilespmem:s18+$0xFFFFFFF0];
	s16 =	sor.u32 $0x8000, s15  }
0x39: {  	s31 =	sand.u32 $0x1, s11;
	v1 =	vld [tilespmem:s18+$0x0];
	s17 =	sadd.s32 $0x0, s16  }
0x3a: {  	v2 =	vld [tilespmem:s18+$0x10];
	s15 =	smul.u32 $0x10200, s31;
	[tilespmem:s17+$0x3870 ss:$0x81] =	vst.msk $0xffff, v0  }
0x3b: {  	[tilespmem:s17+$0x810 ss:$0x81] =	vst.msk $0xffff, v3;
	v3 =	vld [tilespmem:s18+$0x20]  }
0x3c: {  	s15 =	sshrl.u32 s15, $0x2;
	v0 =	vld [tilespmem:s18+$0xFFFFFFC0];
	[tilespmem:s17+$0x1020 ss:$0x81] =	vst.msk $0xffff, v4;
	s18 =	sadd.s32 $0x80, s18  }
0x3d: {  	s19 =	simm.s32 $0x4;
	s20 =	simm.s32 $0x8;
	s15 =	sor.u32 $0x8000, s15;
	[tilespmem:s17+$0x1830 ss:$0x81] =	vst.msk $0xffff, v5;
	v4 =	vld [tilespmem:s18+$0x30]  }
.LBB1_3:
0x3e: {  	p1 =	sne.s32 s20, $0x1FC;
	v5 =	vld [tilespmem:s18+$0xFFFFFFD0];
	[tilespmem:s17+$0x2040 ss:$0x81] =	vst.msk $0xffff, v1  }
0x3f: {  	v6 =	vld [tilespmem:s18+$0xFFFFFFE0];
	[tilespmem:s17+$0x2850 ss:$0x81] =	vst.msk $0xffff, v2  }
0x40: {  	s21 =	sshra.s32 s19, $0x2;
	s19 =	smov.u32 s20;
	v7 =	vld [tilespmem:s18+$0xFFFFFFF0];
	[tilespmem:s17+$0x3060 ss:$0x81] =	vst.msk $0xffff, v3  }
.Ltmp3:
0x41: {  	v1 =	vld [tilespmem:s18+$0x0];
	[tilespmem:s17+$0x0 ss:$0x81] =	vst.msk $0xffff, v0;
	s17 =	sadd.s32 s21, s16;
	(pc) =	sbr.rel @p1 .LBB1_3-.Ltmp3, $4  }
0x42: {  	v2 =	vld [tilespmem:s18+$0x10];
	[tilespmem:s17+$0x3870 ss:$0x81] =	vst.msk $0xffff, v4  }
0x43: {  	[tilespmem:s17+$0x810 ss:$0x81] =	vst.msk $0xffff, v5;
	v3 =	vld [tilespmem:s18+$0x20]  }
0x44: {  	v0 =	vld [tilespmem:s18+$0xFFFFFFC0];
	[tilespmem:s17+$0x1020 ss:$0x81] =	vst.msk $0xffff, v6;
	s18 =	sadd.s32 $0x80, s18  }
0x45: {  	s20 =	sadd.s32 $0x4, s20;
	v4 =	vld [tilespmem:s18+$0x30];
	[tilespmem:s17+$0x1830 ss:$0x81] =	vst.msk $0xffff, v7  }
.Ltmp4:
0x46: {  	_ = 	snop;
	(pc) =	sbr.rel .LBB1_4-.Ltmp4, $1  }
0x47: {  	_ =	sdelay $0x3  }
.LBB1_6:
0x48: {  	_ =	sfence.sel $0x180000  }
0x49: {  	s2 =	simm.s32 $0x1;
	[bflag:$0x0] =	sbarrier.arrive $0xFFFF  }
0x4a: {  	s31 =	simm.s32 $0x2;
	[sflag:s2] =	ssyncpa.u1 $0x1  }
0x4b: {  	[sflag:s31] =	ssyncpa.u1 $0x1  }
0x4c: {  	p0 =	sne.s32 s1, $0x0;
	_ =	strace $0x9000004A  }
0x4d: {  	s0 =	sadd.s32 @!p0 $0x100000, s0;
	[bflag:$0x2] =	sbarrier.arrive $0xFFFF  }
0x4e: {  	[sflag:s0] =	ssyncadd.tile.s32 @!p0 $0x1;
	_ =	shalt  }
.Lfunc_end1:
_tile_overlayer_lowered:
.L_overlay_start_2:
0x4f: {  	(tag) =	ssettag $0x2  }
0x50: {  	s0 =	rddreg [dreg:$0x0];
	s2 =	stileid.u32  }
0x51: {  	s1 =	rddreg [dreg:$0x1];
	p0 =	sne.s32 s2, $0x0  }
0x52: {  	s3 =	rddreg [dreg:$0x2];
	[bflag:$0x3] =	sbarrier.arrive $0xFFFF;
	s2 =	simm.s32 @!p0 $0x1C01  }
0x53: {  	[timem:s3], [sflag:s2] =	dma.local @!p0 [hbm:s0], s1  }
0x54: {  	s0 =	simm.s32 @!p0 $0x1  }
0x55: {  	_ =	swait.ge @!p0 [sflag:s0], s1  }
0x56: {  	s1 =	ssub.s32 @!p0 $0x0, s1;
	[sflag:s0] =	ssyncset.done @!p0 $0x0  }
0x57: {  	[sflag:s0] =	ssyncadd.s32 @!p0 s1  }
0x58: {  	[bflag:$0x3] =	sbarrier.arrive $0xFFFF  }
0x59: {  	_ =	shalt  }

// kernel: sparse-core-data-format-call.2.cloned.1.call-start
scs
called_computation.2_lowered:
.L_overlay_start_0:
0x0: {  	s2 =	sld [smem:$0x3FD9]  }
0x1: {  	s3 =	sld [smem:$0x3FFE];
	_ =	sdelay $0x1  }
0x2: {  	s1 =	srdreg.scid  }
0x3: {  	s0 =	sand.u32 $0x1, s1  }
0x4: {  	s18 =	sshll.u32 s0, $0xA;
	s2 =	sadd.s32 s3, s2  }
0x5: {  	s2 =	sadd.s32 s2, s18  }
0x6: {  	[smem:$0x3FB9] =	sst s2  }
0x7: {  	_ = 	snop  }
0x8: {  	s2 =	sld [smem:$0x3FC9];
	(tm) =	ssettm $0x1  }
0x9: {  	s19 =	sld [smem:$0x3FFB];
	_ =	sdelay $0x3  }
0xa: {  	_ =	strace s19  }
0xb: {  	s3 =	sld [smem:$0x3FFC];
	_ =	sdelay $0x3  }
0xc: {  	_ =	strace s3  }
0xd: {  	s3 =	sld [smem:$0x3FFD];
	_ =	sdelay $0x3  }
0xe: {  	_ =	strace s3  }
0xf: {  	_ =	strace $0x8FFFFFFF  }
0x10: {  	s20 =	sld [smem:$0x3FDB];
	_ =	sdelay $0x1  }
0x11: {  	s4 =	simm.s32 $_scs_section_size  }
0x12: {  	s5 =	simm.s32 $_size__tile_overlayer_lowered;
	s6 =	simm.s32 $_tile_overlayer_lowered  }
0x13: {  	s23 =	simm.s32 $0x1BFF;
	s22 =	sshll.u32 s6, $0x1;
	s3 =	sadd.s32 s4, s20  }
0x14: {  	s7 =	simm.s32 $0x0;
	s21 =	sshll.u32 s5, $0x1;
	s5 =	sadd.s32 s22, s3  }
0x15: {  	[timem:s7], [sflag:s23] =	dma.local [hbm:s5], s21  }
0x16: {  	_ =	swait.ge [sflag:s23], s21  }
0x17: {  	s4 =	ssub.s32 $0x0, s21;
	[sflag:s23] =	ssyncset.done $0x0  }
0x18: {  	[sflag:s23] =	ssyncadd.s32 s4;
	_ =	sdelay $0x1  }
0x19: {  	s24 =	simm.s32 $0x1B8B  }
0x1a: {  	_ =	swait.ge [sflag:s24], $0x1  }
0x1b: {  	[sflag:s24] =	ssyncset.done $0x0  }
0x1c: {  	s26 =	simm.s32 $0x1B8E;
	s25 =	sld [smem:$0x3FFE];
	[sflag:s24] =	ssyncadd.s32 $0xFFFFFFFF  }
0x1d: {  	s27 =	simm.s32 $execute0_lowered;
	[smem:$0x3FD2] =	sst s26  }
0x1e: {  	s5 =	sshll.u32 s27, $0x1;
	_ =	strace $0x80000046;
	[dreg:$0x1] =	wrdreg $0xFFFFFFFF  }
0x1f: {  	s28 =	simm.s32 $_size_execute0_lowered;
	s3 =	sadd.s32 s3, s5;
	[dreg:$0x0] =	wrdreg $0x0  }
0x20: {  	s5 =	sshll.u32 s28, $0x1;
	[dreg:$0x2] =	wrdreg s3  }
0x21: {  	[dreg:$0x3] =	wrdreg s5  }
0x22: {  	[dreg:$0x4] =	wrdreg $0xC0  }
0x23: {  	_ =	task [dreg:s7], $0x5FFFF  }
0x24: {  	[dreg:$0x1] =	wrdreg $0xFFFFFFFF  }
0x25: {  	[dreg:$0x0] =	wrdreg $0x60  }
0x26: {  	[dreg:$0x2] =	wrdreg s2  }
0x27: {  	[dreg:$0x3] =	wrdreg s25  }
0x28: {  	[dreg:$0x4] =	wrdreg $0x9  }
0x29: {  	_ =	task.clear_ibuf [dreg:s7], $0x5FFFF;
	_ =	strace $0x90000046  }
0x2a: {  	s29 =	simm.s32 $0x9;
	_ =	strace $0x80000048  }
0x2b: {  	_ =	swait.ge [sflag:s29], $0x1  }
0x2c: {  	[sflag:s29] =	ssyncadd.s32 $0xFFFFFFFF  }
0x2d: {  	_ =	strace $0x90000048  }
0x2e: {  	_ =	sfence  }
0x2f: {  	s30 =	sld [smem:$0x0];
	_ =	sdelay $0x2  }
0x30: {  	s31 =	sshll.u32 s1, $0xD;
	s1 =	sshrl.u32 s1, $0x2  }
0x31: {  	s3 =	sand.u32 $0x4000, s31;
	s1 =	sadd.s32 s1, s30  }
0x32: {  	s0 =	sor.u32 s3, s0;
	s1 =	sshll.u32 s1, $0x11  }
0x33: {  	s0 =	sor.u32 s1, s0  }
0x34: {  	s0 =	sadd.s32 $0x8F2B, s0  }
0x35: {  	[sflag:s0] =	ssyncadd.remote.s32 $0x1  }
0x36: {  	_ =	sfence.sel $0xFFFF  }
0x37: {  	[dreg:$0x0] =	wrdreg $0xFFFFFFFF;
	(pc) =	sbr.abs _section_cstart, $3  }
0x38: {  	[dreg:$0x1] =	wrdreg $0xFFFFFFFF  }
0x39: {  	_ =	task.clear_ibuf [dreg:s7], $0x2FFFF;
	_ =	strace $0x9FFFFFFF  }
0x3a: {  	(tm) =	ssettm $0x7FFFFFFF  }
0x3b: {  	_ =	shalt  }
tec
execute0_lowered:
.L_overlay_start_1:
0x0: {  	(tag) =	ssettag $0x1  }
0x1: {  	s2 =	stileid.u32  }
0x2: {  	s0 =	srdreg.scid;
	s3 =	rddreg [dreg:$0x0]  }
0x3: {  	s7 =	rddreg [dreg:$0x1];
	_ =	strace $0x80000047;
	s31 =	simm.s32 $0x2  }
0x4: {  	s16 =	simm.s32 $0x0;
	s1 =	sshll.u32 s2, $0x2;
	s0 =	sshll.u32 s0, $0x6  }
0x5: {  	s9 =	simm.s32 $0x80000;
	s10 =	simm.s32 $0x0;
	s0 =	sor.u32 s1, s0  }
0x6: {  	s17 =	simm.s32 $0x0;
	s19 =	simm.s32 $0x0;
	s1 =	sand.u32 $0x78, s0  }
0x7: {  	s18 =	simm.s32 $0x0;
	s2 =	sand.u32 $0x1, s2;
	s0 =	ssub.s32 $0x80, s1  }
0x8: {  	s11 =	simm.s32 $0x0;
	s4 =	ssub.s32 $0x2, s2;
	s5 =	sand.u32 $0x78, s0  }
0x9: {  	s6 =	sshrl.u32 s4, $0x1;
	p0 =	sne.s32 s5, $0x0;
	s5 =	simm.s32 $0x1  }
0xa: {  	s4 =	sand.u32 $0x1, s4;
	s0 =	sshrl.u32 s0, $0x7;
	s5 =	simm.s32 @!p0 $0x0  }
.Ltmp0:
0xb: {  	s4 =	sadd.s32 s4, s6;
	s0 =	sadd.s32 s5, s0;
	(pc) =	sbr.rel .LBB1_1-.Ltmp0, $4  }
0xc: {  	s12 =	simm.s32 $0x0;
	s15 =	simm.s32 $0x0;
	s0 =	smul.u32 s0, s4  }
0xd: {  	s25 =	simm.s32 $0x0;
	s7 =	sadd.s32 $0x1E00, s7;
	s5 =	simm.s32 $0x1  }
0xe: {  	s14 =	smov.u32 s2;
	[sflag:s5] =	ssyncpa.u1 $0x0;
	s6 =	sshll.u32 s0, $0x4  }
0xf: {  	s13 =	smov.u32 s1;
	[sflag:s31] =	ssyncpa.u1 $0x0;
	s8 =	sor.u32 $0x1, s6  }
.LBB1_7:
0x10: {  	s0 =	sadd.s32 $0x100, s11  }
0x11: {  	s4 =	sadd.s32 $0x8, s12;
	s20 =	smov.u32 s12;
	p1 =	sgt.s32 s0, $0xFFF  }
0x12: {  	s20 =	smov.u32 @p1 s4  }
0x13: {  	s21 =	smov.u32 s13;
	s4 =	sadd.s32 $0x80, s13;
	p2 =	sgt.s32 s20, $0x7  }
0x14: {  	s21 =	smov.u32 @p2 s4  }
0x15: {  	s22 =	smov.u32 s14;
	s4 =	sadd.s32 $0x2, s14;
	p3 =	sgt.s32 s21, $0x7F  }
0x16: {  	p0 =	slt.u32 s15, $0x2;
	s22 =	smov.u32 @p3 s4  }
0x17: {  	s16 =	smov.u32 s11;
	s0 =	simm.s32 @p1 $0x0;
	p1 =	sgt.s32 s22, $0x1  }
0x18: {  	s17 =	smov.u32 s12;
	s22 =	smov.u32 @p1 s2;
	p1 =	sne.s32 s15, s8  }
.Ltmp1:
0x19: {  	s19 =	smov.u32 s13;
	s18 =	smov.u32 s14;
	(pc) =	sbr.rel @!p1 .LBB1_8-.Ltmp1, $4  }
0x1a: {  	s10 =	sadd.s32 $0x4000, s10;
	s11 =	smov.u32 s0;
	s4 =	simm.s32 @!p0 $0x2  }
0x1b: {  	s20 =	simm.s32 @p2 $0x0;
	s21 =	smov.u32 @p3 s1;
	_ =	swait.ge @!p0 [sflag:s4], $0x4000  }
0x1c: {  	s12 =	smov.u32 s20;
	s13 =	smov.u32 s21;
	[sflag:s4] =	ssyncset.done @!p0 $0x0  }
0x1d: {  	s15 =	sadd.s32 $0x1, s15;
	[sflag:s4] =	ssyncadd.s32 @!p0 $0xFFFFC000;
	s14 =	smov.u32 s22  }
.LBB1_1:
0x1e: {  	p0 =	sge.u32 s15, s6  }
0x1f: {  	s31 =	sadd.s32 $0xFFFFFFFF, s15;
	s0 =	sxor.u32 @!p0 $0xFFFFFFFF, s15  }
0x20: {  	s4 =	sshll.u32 @!p0 s12, $0x7;
	s20 =	sand.u32 @!p0 $0x78, s11;
	s21 =	sshll.u32 @!p0 s11, $0x3  }
0x21: {  	s22 =	sand.u32 @!p0 $0xE00, s11;
	s0 =	sshll.u32 @!p0 s0, $0xE;
	s4 =	sand.u32 @!p0 $0x380, s4  }
0x22: {  	s21 =	sand.u32 @!p0 $0xC00, s21;
	s4 =	sor.u32 @!p0 s4, s20;
	s20 =	sshll.u32 @!p0 s14, $0x13  }
0x23: {  	s4 =	sor.u32 @!p0 s21, s4;
	s21 =	sshll.u32 @!p0 s13, $0xC;
	s20 =	sadd.s32 @!p0 s3, s20  }
0x24: {  	s0 =	sand.u32 @!p0 $0x4000, s0;
	s20 =	sadd.s32 @!p0 s21, s20;
	s21 =	sand.u32 @!p0 $0x7, s11  }
0x25: {  	s4 =	sshrl.u32 @!p0 s4, $0x3;
	s20 =	sadd.s32 @!p0 s22, s20;
	s21 =	sshll.u32 @!p0 s21, $0x12  }
0x26: {  	s4 =	sadd.s32 @!p0 s4, s20;
	s20 =	sor.u32 @!p0 $0x800, s21;
	s21 =	simm.s32 @!p0 $0x8000  }
0x27: {  	[tilespmem:s0], [sflag:$0x1] =	stream.strided.gather @!p0 [hbm4b:s4+s20], $0x4000, s21, s20, $0x38;
	[tilespmem:$0x10000] =	vst v63  }
0x28: {  	p0 =	sge.u32 s31, s6  }
.Ltmp2:
0x29: {  	_ = 	snop;
	(pc) =	sbr.rel @p0 .LBB1_7-.Ltmp2, $1  }
0x2a: {  	_ =	sdelay $0x3  }
0x2b: {  	s0 =	sshll.u32 s10, $0x2;
	_ =	swait.ge [sflag:s5], $0x4000;
	s4 =	sshll.u32 s15, $0xE  }
0x2c: {  	p0 =	por $0x0, $0x0;
	s26 =	simm.s32 $0x0;
	s27 =	simm.s32 $0x0  }
0x2d: {  	s0 =	sand.u32 $0x10000, s0;
	[sflag:s5] =	ssyncset.done $0x0;
	s23 =	sand.u32 $0x4000, s4  }
0x2e: {  	s0 =	sshrl.u32 s0, $0x2;
	[sflag:s5] =	ssyncadd.s32 $0xFFFFC000;
	s20 =	sor.u32 $0x8000, s23  }
0x2f: {  	s21 =	sor.u32 $0x40, s0;
	s22 =	sor.u32 $0x8410, s0;
	s24 =	sadd.s32 $0x8400, s0  }
.LBB1_3:
0x30: {  	v1 =	vld [tilespmem:s21+$0xFFFFFFD0]  }
0x31: {  	v2 =	vld [tilespmem:s21+$0x430]  }
0x32: {  	s0 =	sshll.u32 s27, $0xB;
	v4 =	vld [tilespmem:s21+$0xFFFFFFE0]  }
0x33: {  	v7 =	vld [tilespmem:s21+$0xFFFFFFF0];
	v0 =	vmov s0  }
0x34: {  	v8 =	vld [tilespmem:s21+$0x0]  }
0x35: {  	v9 =	vld [tilespmem:s21+$0x10];
	s0 =	sand.u32 $0x300, s25  }
0x36: {  	s4 =	sand.u32 $0x80, s25;
	v10 =	vld [tilespmem:s21+$0x20];
	s0 =	sadd.s32 s0, s23  }
0x37: {  	v11 =	vld [tilespmem:s21+$0x30];
	s0 =	sadd.s32 s4, s0;
	s4 =	simm.s32 $0x1;
	[tilespmem:s22+$0x60] =	vst v2  }
0x38: {  	s4 =	simm.s32 @!p0 $0x0;
	[tilespmem:s22+$0xFFFFFC00] =	vst v1;
	v3 =	vld.idx.msk [tilespmem:v0+s0+$0x400 ss:$0x1], $0xffff;
	s0 =	sshll.u32 s26, $0x2  }
0x39: {  	v6 =	vld [tilespmem:s21+$0x3D0];
	s4 =	sshll.u32 s4, $0x9;
	[tilespmem:s22+$0xFFFFFC10] =	vst v4;
	s0 =	sand.u32 $0xFFFFFC00, s0  }
0x3a: {  	v5 =	vld [tilespmem:s21+$0x3E0];
	[tilespmem:s22+$0xFFFFFC20] =	vst v7;
	s0 =	sor.u32 s4, s0  }
0x3b: {  	[tilespmem:s22+$0xFFFFFC30] =	vst v8;
	v4 =	vld [tilespmem:s21+$0x400];
	s0 =	sshrl.u32 s0, $0x2  }
0x3c: {  	[tilespmem:s22+$0xFFFFFC40] =	vst v9;
	v1 =	vld [tilespmem:s21+$0x410];
	s28 =	sadd.s32 s0, s24  }
0x3d: {  	[tilespmem:s28+$0x0] =	vst v3;
	v3 =	vld [tilespmem:s21+$0x3F0]  }
0x3e: {  	s31 =	simm.s32 $0x100;
	[tilespmem:s22+$0xFFFFFC50] =	vst v10;
	v2 =	vld [tilespmem:s21+$0x420];
	s4 =	simm.s32 $0x80  }
0x3f: {  	s29 =	sadd.s32 $0x80, s21;
	s30 =	smov.u32 s22;
	v7 =	vld [tilespmem:s21+$0xFFFFFFC0];
	[tilespmem:s22+$0xFFFFFC60] =	vst v11;
	s0 =	sand.u32 $0x300, s4  }
.LBB1_4:
0x40: {  	p1 =	sne.s32 s31, $0x380;
	v8 =	vld [tilespmem:s29+$0xFFFFFFD0];
	s4 =	sand.u32 $0x80, s4;
	s0 =	sadd.s32 s0, s23;
	[tilespmem:s30+$0x0] =	vst v6  }
0x41: {  	s0 =	sadd.s32 s4, s0;
	v6 =	vld [tilespmem:s29+$0x430];
	[tilespmem:s30+$0x10] =	vst v5;
	s4 =	smov.u32 s31  }
0x42: {  	v5 =	vld.idx.msk [tilespmem:v0+s0+$0x400 ss:$0x1], $0xffff;
	[tilespmem:s30+$0x20] =	vst v3  }
0x43: {  	v3 =	vld [tilespmem:s29+$0xFFFFFFE0];
	[tilespmem:s30+$0x30] =	vst v4  }
0x44: {  	v4 =	vld [tilespmem:s29+$0xFFFFFFF0];
	[tilespmem:s30+$0xFFFFFBF0] =	vst v7  }
0x45: {  	v7 =	vld [tilespmem:s29+$0x0];
	[tilespmem:s30+$0x40] =	vst v1  }
0x46: {  	v1 =	vld [tilespmem:s29+$0x10];
	[tilespmem:s30+$0x50] =	vst v2;
	s30 =	sadd.s32 $0x800, s30  }
0x47: {  	s28 =	sadd.s32 $0x800, s28;
	v2 =	vld [tilespmem:s29+$0x20];
	[tilespmem:s30+$0x60] =	vst v6  }
0x48: {  	v9 =	vld [tilespmem:s29+$0x30];
	[tilespmem:s28+$0x0] =	vst v5  }
0x49: {  	[tilespmem:s30+$0xFFFFFC00] =	vst v8;
	v6 =	vld [tilespmem:s29+$0x3D0]  }
0x4a: {  	[tilespmem:s30+$0xFFFFFC10] =	vst v3;
	v5 =	vld [tilespmem:s29+$0x3E0]  }
.Ltmp3:
0x4b: {  	[tilespmem:s30+$0xFFFFFC20] =	vst v4;
	v3 =	vld [tilespmem:s29+$0x3F0];
	(pc) =	sbr.rel @p1 .LBB1_4-.Ltmp3, $4  }
0x4c: {  	[tilespmem:s30+$0xFFFFFC30] =	vst v7;
	v4 =	vld [tilespmem:s29+$0x400]  }
0x4d: {  	[tilespmem:s30+$0xFFFFFC40] =	vst v1;
	v1 =	vld [tilespmem:s29+$0x410]  }
0x4e: {  	[tilespmem:s30+$0xFFFFFC50] =	vst v2;
	v2 =	vld [tilespmem:s29+$0x420]  }
0x4f: {  	s31 =	sadd.s32 $0x80, s31;
	s0 =	sand.u32 $0x300, s4;
	v7 =	vld [tilespmem:s29+$0xFFFFFFC0];
	[tilespmem:s30+$0xFFFFFC60] =	vst v9;
	s29 =	sadd.s32 $0x80, s29  }
0x50: {  	[tilespmem:s30+$0x0] =	vst v6  }
0x51: {  	[tilespmem:s30+$0x10] =	vst v5  }
0x52: {  	v49 =	vld [tilespmem:s29+$0x430];
	[tilespmem:s30+$0x20] =	vst v3  }
0x53: {  	v50 =	vld [tilespmem:s29+$0xFFFFFFD0];
	[tilespmem:s30+$0x30] =	vst v4  }
0x54: {  	v51 =	vld [tilespmem:s29+$0xFFFFFFE0];
	[tilespmem:s30+$0x40] =	vst v1  }
0x55: {  	v52 =	vld [tilespmem:s29+$0xFFFFFFF0];
	[tilespmem:s30+$0x50] =	vst v2  }
0x56: {  	v53 =	vld [tilespmem:s29+$0x0];
	[tilespmem:s30+$0xFFFFFBF0] =	vst v7;
	s30 =	sadd.s32 $0x800, s30  }
0x57: {  	v54 =	vld [tilespmem:s29+$0x10];
	[tilespmem:s30+$0x60] =	vst v49  }
0x58: {  	v55 =	vld [tilespmem:s29+$0x20];
	[tilespmem:s30+$0xFFFFFC00] =	vst v50  }
0x59: {  	v56 =	vld [tilespmem:s29+$0x30];
	[tilespmem:s30+$0xFFFFFC10] =	vst v51  }
0x5a: {  	v57 =	vld [tilespmem:s29+$0x3D0];
	[tilespmem:s30+$0xFFFFFC20] =	vst v52  }
0x5b: {  	v58 =	vld [tilespmem:s29+$0x3E0];
	[tilespmem:s30+$0xFFFFFC30] =	vst v53  }
0x5c: {  	v59 =	vld [tilespmem:s29+$0x3F0];
	[tilespmem:s30+$0xFFFFFC40] =	vst v54  }
0x5d: {  	v60 =	vld [tilespmem:s29+$0x400];
	[tilespmem:s30+$0xFFFFFC50] =	vst v55  }
0x5e: {  	v61 =	vld [tilespmem:s29+$0xFFFFFFC0];
	[tilespmem:s30+$0xFFFFFC60] =	vst v56  }
0x5f: {  	s4 =	sand.u32 $0x80, s4;
	s0 =	sadd.s32 s0, s23;
	v62 =	vld [tilespmem:s29+$0x410];
	[tilespmem:s30+$0x0] =	vst v57  }
0x60: {  	v63 =	vld [tilespmem:s29+$0x420];
	s27 =	sadd.s32 $0x1, s27;
	s0 =	sadd.s32 s4, s0;
	[tilespmem:s30+$0x10] =	vst v58  }
0x61: {  	p1 =	sne.s32 s27, $0x8;
	v0 =	vld.idx.msk [tilespmem:v0+s0+$0x400 ss:$0x1], $0xffff;
	[tilespmem:s30+$0x20] =	vst v59  }
.Ltmp4:
0x62: {  	[tilespmem:s30+$0x30] =	vst v60;
	(pc) =	sbr.rel @p1 .LBB1_3-.Ltmp4, $4  }
0x63: {  	[tilespmem:s30+$0xFFFFFBF0] =	vst v61  }
0x64: {  	[tilespmem:s30+$0x40] =	vst v62  }
0x65: {  	s31 =	sadd.s32 $0x800, s28;
	s21 =	sadd.s32 $0x800, s21;
	[tilespmem:s30+$0x50] =	vst v63  }
0x66: {  	s26 =	sadd.s32 $0x80, s26;
	p0 =	por !p0, !p0;
	s22 =	sadd.s32 $0x80, s22;
	[tilespmem:s31+$0x0] =	vst v0  }
0x67: {  	s0 =	sand.u32 $0x78, s16;
	s4 =	sshll.u32 s19, $0x7;
	s26 =	sshll.u32 s19, $0xC  }
0x68: {  	s21 =	sshll.u32 s16, $0x3;
	s28 =	sshll.u32 s18, $0x13;
	s17 =	sshll.u32 s17, $0x10  }
0x69: {  	s30 =	sand.u32 $0x7, s16;
	s4 =	sand.u32 $0x380, s4;
	s19 =	sand.u32 $0x78000, s26  }
0x6a: {  	s27 =	sand.u32 $0xC00, s21;
	s0 =	sor.u32 s4, s0;
	s19 =	sadd.s32 s19, s21  }
.Ltmp5:
0x6b: {  	s4 =	sadd.s32 s7, s28;
	s29 =	sshrl.u32 s19, $0x3;
	(pc) =	sbr.rel .LBB1_7-.Ltmp5, $4  }
0x6c: {  	s0 =	sor.u32 s27, s0;
	s4 =	sadd.s32 s17, s4;
	s18 =	sand.u32 $0xFE00, s29  }
0x6d: {  	s16 =	sshll.u32 s30, $0x12;
	s0 =	sshrl.u32 s0, $0x3;
	s4 =	sadd.s32 s18, s4  }
0x6e: {  	s31 =	sor.u32 $0x800, s16;
	s0 =	sadd.s32 s0, s4  }
0x6f: {  	[hbm4b:s0+s31] =	stream.strided.scatter [tilespmem:s20], [sflag:$0x2], $0x4000, s9, s31, $0x38;
	[tilespmem:$0x10000] =	vst v63  }
.LBB1_8:
0x70: {  	_ =	sfence.sel $0x180000  }
0x71: {  	s0 =	simm.s32 $0x1;
	[bflag:$0x0] =	sbarrier.arrive $0xFFFF  }
0x72: {  	s30 =	simm.s32 $0x2;
	[sflag:s0] =	ssyncpa.u1 $0x1  }
0x73: {  	[sflag:s30] =	ssyncpa.u1 $0x1  }
0x74: {  	_ =	strace $0x90000047  }
0x75: {  	s31 =	stileid.u32;
	[bflag:$0x2] =	sbarrier.arrive $0xFFFF  }
0x76: {  	p0 =	sne.s32 s31, $0x0;
	s0 =	rddreg [dreg:$0x2]  }
0x77: {  	s0 =	sadd.s32 @!p0 $0x100000, s0  }
0x78: {  	[sflag:s0] =	ssyncadd.tile.s32 @!p0 $0x1;
	_ =	shalt  }
.Lfunc_end1:
_tile_overlayer_lowered:
.L_overlay_start_2:
0x79: {  	(tag) =	ssettag $0x2  }
0x7a: {  	s0 =	rddreg [dreg:$0x0];
	s2 =	stileid.u32  }
0x7b: {  	s1 =	rddreg [dreg:$0x1];
	p0 =	sne.s32 s2, $0x0  }
0x7c: {  	s3 =	rddreg [dreg:$0x2];
	[bflag:$0x3] =	sbarrier.arrive $0xFFFF;
	s2 =	simm.s32 @!p0 $0x1C01  }
0x7d: {  	[timem:s3], [sflag:s2] =	dma.local @!p0 [hbm:s0], s1  }
0x7e: {  	s0 =	simm.s32 @!p0 $0x1  }
0x7f: {  	_ =	swait.ge @!p0 [sflag:s0], s1  }
0x80: {  	s1 =	ssub.s32 @!p0 $0x0, s1;
	[sflag:s0] =	ssyncset.done @!p0 $0x0  }
0x81: {  	[sflag:s0] =	ssyncadd.s32 @!p0 s1  }
0x82: {  	[bflag:$0x3] =	sbarrier.arrive $0xFFFF  }
0x83: {  	_ =	shalt  }

// kernel: sparse-core-data-format-call.cloned.1.call-start
scs
called_computation_lowered:
.L_overlay_start_0:
0x0: {  	s1 =	sld [smem:$0x3FD9]  }
0x1: {  	s2 =	sld [smem:$0x3FFE];
	_ =	sdelay $0x1  }
0x2: {  	s3 =	srdreg.scid  }
0x3: {  	s0 =	sand.u32 $0x1, s3  }
0x4: {  	s17 =	sshll.u32 s0, $0xA;
	s1 =	sadd.s32 s2, s1  }
0x5: {  	s1 =	sadd.s32 s1, s17  }
0x6: {  	[smem:$0x3FB9] =	sst s1  }
0x7: {  	_ = 	snop  }
0x8: {  	(tm) =	ssettm $0x1  }
0x9: {  	s18 =	sld [smem:$0x3FFB];
	_ =	sdelay $0x3  }
0xa: {  	_ =	strace s18  }
0xb: {  	s1 =	sld [smem:$0x3FFC];
	_ =	sdelay $0x3  }
0xc: {  	_ =	strace s1  }
0xd: {  	s1 =	sld [smem:$0x3FFD];
	_ =	sdelay $0x3  }
0xe: {  	_ =	strace s1  }
0xf: {  	_ =	strace $0x8FFFFFFF  }
0x10: {  	s19 =	sld [smem:$0x3FDB];
	_ =	sdelay $0x1  }
0x11: {  	s20 =	simm.s32 $_scs_section_size  }
0x12: {  	s4 =	simm.s32 $_size__tile_overlayer_lowered;
	s5 =	simm.s32 $_tile_overlayer_lowered  }
0x13: {  	s23 =	simm.s32 $0x1BFF;
	s22 =	sshll.u32 s5, $0x1;
	s1 =	sadd.s32 s20, s19  }
0x14: {  	s6 =	simm.s32 $0x0;
	s21 =	sshll.u32 s4, $0x1;
	s4 =	sadd.s32 s22, s1  }
0x15: {  	[timem:s6], [sflag:s23] =	dma.local [hbm:s4], s21  }
0x16: {  	_ =	swait.ge [sflag:s23], s21  }
0x17: {  	s2 =	ssub.s32 $0x0, s21;
	[sflag:s23] =	ssyncset.done $0x0  }
0x18: {  	[sflag:s23] =	ssyncadd.s32 s2;
	_ =	sdelay $0x1  }
0x19: {  	s24 =	simm.s32 $0x1B8B  }
0x1a: {  	_ =	swait.ge [sflag:s24], $0x1  }
0x1b: {  	[sflag:s24] =	ssyncset.done $0x0  }
0x1c: {  	s26 =	simm.s32 $0x1B8E;
	s25 =	sld [smem:$0x3FFE];
	[sflag:s24] =	ssyncadd.s32 $0xFFFFFFFF  }
0x1d: {  	s27 =	simm.s32 $execute0_lowered;
	[smem:$0x3FD2] =	sst s26  }
0x1e: {  	s4 =	sshll.u32 s27, $0x1;
	_ =	strace $0x8000004C;
	[dreg:$0x1] =	wrdreg $0xFFFFFFFF  }
0x1f: {  	s28 =	simm.s32 $_size_execute0_lowered;
	s1 =	sadd.s32 s1, s4;
	[dreg:$0x0] =	wrdreg $0x0  }
0x20: {  	s4 =	sshll.u32 s28, $0x1;
	[dreg:$0x2] =	wrdreg s1  }
0x21: {  	[dreg:$0x3] =	wrdreg s4  }
0x22: {  	[dreg:$0x4] =	wrdreg $0xC0  }
0x23: {  	_ =	task [dreg:s6], $0x5FFFF  }
0x24: {  	[dreg:$0x1] =	wrdreg $0xFFFFFFFF  }
0x25: {  	[dreg:$0x0] =	wrdreg $0x60  }
0x26: {  	[dreg:$0x2] =	wrdreg s25  }
0x27: {  	[dreg:$0x3] =	wrdreg $0x9  }
0x28: {  	_ =	task.clear_ibuf [dreg:s6], $0x4FFFF;
	_ =	strace $0x9000004C  }
0x29: {  	s29 =	simm.s32 $0x9;
	_ =	strace $0x8000004E  }
0x2a: {  	_ =	swait.ge [sflag:s29], $0x1  }
0x2b: {  	[sflag:s29] =	ssyncadd.s32 $0xFFFFFFFF  }
0x2c: {  	_ =	strace $0x9000004E  }
0x2d: {  	_ =	sfence  }
0x2e: {  	s30 =	sld [smem:$0x0];
	_ =	sdelay $0x2  }
0x2f: {  	s31 =	sshll.u32 s3, $0xD;
	s3 =	sshrl.u32 s3, $0x2  }
0x30: {  	s2 =	sand.u32 $0x4000, s31;
	s1 =	sadd.s32 s3, s30  }
0x31: {  	s0 =	sor.u32 s2, s0;
	s1 =	sshll.u32 s1, $0x11  }
0x32: {  	s0 =	sor.u32 s1, s0  }
0x33: {  	s0 =	sadd.s32 $0x8F2B, s0  }
0x34: {  	[sflag:s0] =	ssyncadd.remote.s32 $0x1  }
0x35: {  	_ =	sfence.sel $0xFFFF  }
0x36: {  	[dreg:$0x0] =	wrdreg $0xFFFFFFFF;
	(pc) =	sbr.abs _section_cstart, $3  }
0x37: {  	[dreg:$0x1] =	wrdreg $0xFFFFFFFF  }
0x38: {  	_ =	task.clear_ibuf [dreg:s6], $0x2FFFF;
	_ =	strace $0x9FFFFFFF  }
0x39: {  	(tm) =	ssettm $0x7FFFFFFF  }
tec
execute0_lowered:
.L_overlay_start_1:
0x0: {  	(tag) =	ssettag $0x1  }
0x1: {  	s1 =	srdreg.scid  }
0x2: {  	s0 =	stileid.u32;
	s5 =	rddreg [dreg:$0x0];
	s31 =	simm.s32 $0x2  }
0x3: {  	s17 =	simm.s32 $0x0;
	s10 =	simm.s32 $0x80;
	s11 =	simm.s32 $0x400  }
0x4: {  	s12 =	simm.s32 $0x0;
	s18 =	simm.s32 $0x0;
	s19 =	simm.s32 $0x0  }
0x5: {  	s16 =	simm.s32 $0x0;
	s1 =	sshll.u32 s1, $0x7;
	s2 =	sand.u32 $0x1, s0  }
0x6: {  	s3 =	sand.u32 $0x80, s1;
	s1 =	rddreg [dreg:$0x1];
	s4 =	ssub.s32 $0x2, s2  }
0x7: {  	_ =	strace $0x8000004D;
	s15 =	smov.u32 s2;
	s6 =	ssub.s32 $0x1000, s3  }
0x8: {  	s7 =	sshrl.u32 s4, $0x1;
	s9 =	sand.u32 $0x1, s4;
	s8 =	sshrl.u32 s6, $0x7  }
.Ltmp0:
0x9: {  	s6 =	sshrl.u32 s6, $0x8;
	s8 =	sand.u32 $0x1, s8;
	(pc) =	sbr.rel .LBB1_1-.Ltmp0, $4  }
0xa: {  	s4 =	sadd.s32 $0x101E00, s5;
	s7 =	sadd.s32 s9, s7;
	s8 =	sadd.s32 s6, s8  }
0xb: {  	s5 =	sadd.s32 $0x1E00, s5;
	s6 =	simm.s32 $0x1;
	s7 =	smul.u32 s7, s8  }
0xc: {  	s13 =	smov.u32 s3;
	s8 =	sshrl.u32 s0, $0x1;
	[sflag:s6] =	ssyncpa.u1 $0x0  }
0xd: {  	[sflag:s31] =	ssyncpa.u1 $0x0;
	s14 =	smov.u32 s8;
	s9 =	sadd.s32 $0x1, s7  }
.LBB1_4:
0xe: {  	_ =	sdelay $0x3  }
0xf: {  	[tilespmem:v0+s21+$0xFFFFFFA0 ss:$0x1] =	vst.idx.msk $0xffff, v6  }
0x10: {  	v56 =	vld.idx.msk [tilespmem:v1+s22+$0x30 ss:$0x1], $0xffff;
	[tilespmem:v0+s21+$0xFFFFFFB0 ss:$0x1] =	vst.idx.msk $0xffff, v4  }
0x11: {  	v57 =	vld.idx.msk [tilespmem:v1+s22+$0xFFFFFFC0 ss:$0x1], $0xffff;
	[tilespmem:v0+s21+$0xFFFFFFC0 ss:$0x1] =	vst.idx.msk $0xffff, v2  }
0x12: {  	v58 =	vld.idx.msk [tilespmem:v1+s22+$0xFFFFFFD0 ss:$0x1], $0xffff;
	[tilespmem:v0+s21+$0xFFFFFFD0 ss:$0x1] =	vst.idx.msk $0xffff, v3  }
0x13: {  	v59 =	vld.idx.msk [tilespmem:v1+s22+$0xFFFFFFE0 ss:$0x1], $0xffff;
	[tilespmem:v0+s21+$0xFFFFFFE0 ss:$0x1] =	vst.idx.msk $0xffff, v5  }
0x14: {  	v60 =	vld.idx.msk [tilespmem:v1+s22+$0xFFFFFFF0 ss:$0x1], $0xffff;
	[tilespmem:v0+s21+$0xFFFFFFF0 ss:$0x1] =	vst.idx.msk $0xffff, v7  }
0x15: {  	v61 =	vld.idx.msk [tilespmem:v1+s22+$0x0 ss:$0x1], $0xffff;
	[tilespmem:v0+s22+$0x0 ss:$0x1] =	vst.idx.msk $0xffff, v56  }
0x16: {  	v62 =	vld.idx.msk [tilespmem:v1+s22+$0x10 ss:$0x1], $0xffff;
	[tilespmem:v0+s22+$0xFFFFFF90 ss:$0x1] =	vst.idx.msk $0xffff, v57  }
0x17: {  	v63 =	vld.idx.msk [tilespmem:v1+s22+$0x20 ss:$0x1], $0xffff;
	[tilespmem:v0+s22+$0xFFFFFFA0 ss:$0x1] =	vst.idx.msk $0xffff, v58  }
0x18: {  	[tilespmem:v0+s22+$0xFFFFFFB0 ss:$0x1] =	vst.idx.msk $0xffff, v59  }
0x19: {  	s19 =	sshll.u32 s19, $0x13;
	[tilespmem:v0+s22+$0xFFFFFFC0 ss:$0x1] =	vst.idx.msk $0xffff, v60  }
0x1a: {  	s17 =	sshll.u32 s17, $0x7;
	s18 =	sshll.u32 s18, $0x4;
	s19 =	sadd.s32 s5, s19;
	[tilespmem:v0+s22+$0xFFFFFFD0 ss:$0x1] =	vst.idx.msk $0xffff, v61  }
0x1b: {  	s18 =	sand.u32 $0x70, s18;
	s17 =	sadd.s32 s17, s19;
	[tilespmem:v0+s22+$0xFFFFFFE0 ss:$0x1] =	vst.idx.msk $0xffff, v62  }
0x1c: {  	s17 =	sadd.s32 s18, s17;
	[tilespmem:v0+s22+$0xFFFFFFF0 ss:$0x1] =	vst.idx.msk $0xffff, v63  }
0x1d: {  	[hbm4b:s17+s10] =	stream.strided.scatter [tilespmem:s20], [sflag:$0x2], $0x4000, s11, s10, $0x38;
	[tilespmem:$0x10000] =	vst v63  }
.LBB1_5:
0x1e: {  	s20 =	sadd.s32 $0x100, s13  }
0x1f: {  	s17 =	sadd.s32 $0x8, s14;
	s21 =	smov.u32 s14;
	p1 =	sgt.s32 s20, $0xFFF  }
0x20: {  	s21 =	smov.u32 @p1 s17  }
0x21: {  	s23 =	smov.u32 s15;
	s17 =	sadd.s32 $0x2, s15;
	p2 =	sgt.s32 s21, $0x7  }
0x22: {  	s23 =	smov.u32 @p2 s17  }
0x23: {  	s20 =	smov.u32 @p1 s3;
	p1 =	sgt.s32 s23, $0x1  }
0x24: {  	p0 =	slt.u32 s16, $0x2;
	s23 =	smov.u32 @p1 s2;
	p1 =	sne.s32 s16, s9  }
.Ltmp1:
0x25: {  	s22 =	simm.s32 @!p0 $0x2;
	(pc) =	sbr.rel @!p1 .LBB1_6-.Ltmp1, $4  }
0x26: {  	s18 =	smov.u32 s14;
	s19 =	smov.u32 s15;
	_ =	swait.ge @!p0 [sflag:s22], $0x4000  }
0x27: {  	s12 =	sadd.s32 $0x4000, s12;
	[sflag:s22] =	ssyncset.done @!p0 $0x0;
	s21 =	smov.u32 @p2 s8  }
0x28: {  	s17 =	smov.u32 s13;
	[sflag:s22] =	ssyncadd.s32 @!p0 $0xFFFFC000;
	s13 =	smov.u32 s20  }
0x29: {  	s14 =	smov.u32 s21;
	s16 =	sadd.s32 $0x1, s16;
	s15 =	smov.u32 s23  }
.LBB1_1:
0x2a: {  	p0 =	sge.u32 s16, s7  }
0x2b: {  	s31 =	sadd.s32 $0xFFFFFFFF, s16;
	s20 =	sxor.u32 @!p0 $0xFFFFFFFF, s16;
	s21 =	sshll.u32 @!p0 s15, $0x13  }
0x2c: {  	s22 =	sshll.u32 @!p0 s14, $0x10;
	s23 =	sshll.u32 @!p0 s13, $0x4;
	s21 =	sadd.s32 @!p0 s4, s21  }
0x2d: {  	s20 =	sshll.u32 @!p0 s20, $0xE;
	s23 =	sand.u32 @!p0 $0xFFF0, s23;
	s21 =	sadd.s32 @!p0 s22, s21  }
0x2e: {  	s20 =	sand.u32 @!p0 $0x4000, s20;
	s22 =	simm.s32 @!p0 $0x0;
	s21 =	sadd.s32 @!p0 s23, s21  }
0x2f: {  	[tilespmem:s20], [sflag:$0x1] =	stream.linear.gather @!p0 [hbm4b:s21+s22], $0x4000, $0x38;
	[tilespmem:$0x10000] =	vst v63  }
0x30: {  	p0 =	sge.u32 s31, s7  }
.Ltmp2:
0x31: {  	_ = 	snop;
	(pc) =	sbr.rel @p0 .LBB1_5-.Ltmp2, $1  }
0x32: {  	_ =	sdelay $0x3  }
0x33: {  	s20 =	sand.u32 $0x4000, s12  }
0x34: {  	s21 =	sor.u32 $0x40, s20  }
0x35: {  	v1 =	vmov s21;
	_ =	sdelay $0x1  }
0x36: {  	_ =	swait.ge [sflag:s6], $0x4000  }
0x37: {  	[sflag:s6] =	ssyncset.done $0x0  }
0x38: {  	[sflag:s6] =	ssyncadd.s32 $0xFFFFC000;
	s21 =	simm.s32 $0x0  }
0x39: {  	s20 =	sor.u32 $0x8070, s20;
	v7 =	vld.idx.msk [tilespmem:v1+s21+$0x30 ss:$0x1], $0xffff  }
0x3a: {  	v0 =	vmov s20;
	v8 =	vld.idx.msk [tilespmem:v1+s21+$0xFFFFFFC0 ss:$0x1], $0xffff  }
0x3b: {  	v6 =	vld.idx.msk [tilespmem:v1+s21+$0xFFFFFFD0 ss:$0x1], $0xffff  }
0x3c: {  	v4 =	vld.idx.msk [tilespmem:v1+s21+$0xFFFFFFE0 ss:$0x1], $0xffff  }
0x3d: {  	v2 =	vld.idx.msk [tilespmem:v1+s21+$0xFFFFFFF0 ss:$0x1], $0xffff  }
0x3e: {  	s31 =	sshll.u32 s16, $0xE;
	v3 =	vld.idx.msk [tilespmem:v1+s21+$0x0 ss:$0x1], $0xffff  }
0x3f: {  	s20 =	sand.u32 $0x4000, s31;
	v5 =	vld.idx.msk [tilespmem:v1+s21+$0x10 ss:$0x1], $0xffff;
	[tilespmem:v0+s21+$0x0 ss:$0x1] =	vst.idx.msk $0xffff, v7  }
0x40: {  	s22 =	simm.s32 $0x80;
	s23 =	simm.s32 $0x400;
	s20 =	sor.u32 $0x8000, s20;
	[tilespmem:v0+s21+$0xFFFFFF90 ss:$0x1] =	vst.idx.msk $0xffff, v8;
	v7 =	vld.idx.msk [tilespmem:v1+s21+$0x20 ss:$0x1], $0xffff  }
.LBB1_3:
0x41: {  	p0 =	sne.s32 s23, $0xFE00;
	v8 =	vld.idx.msk [tilespmem:v1+s22+$0x30 ss:$0x1], $0xffff;
	[tilespmem:v0+s21+$0xFFFFFFA0 ss:$0x1] =	vst.idx.msk $0xffff, v6  }
0x42: {  	v9 =	vld.idx.msk [tilespmem:v1+s22+$0xFFFFFFC0 ss:$0x1], $0xffff;
	[tilespmem:v0+s21+$0xFFFFFFB0 ss:$0x1] =	vst.idx.msk $0xffff, v4  }
0x43: {  	v6 =	vld.idx.msk [tilespmem:v1+s22+$0xFFFFFFD0 ss:$0x1], $0xffff;
	[tilespmem:v0+s21+$0xFFFFFFC0 ss:$0x1] =	vst.idx.msk $0xffff, v2  }
.Ltmp3:
0x44: {  	v4 =	vld.idx.msk [tilespmem:v1+s22+$0xFFFFFFE0 ss:$0x1], $0xffff;
	[tilespmem:v0+s21+$0xFFFFFFD0 ss:$0x1] =	vst.idx.msk $0xffff, v3;
	(pc) =	sbr.rel @p0 .LBB1_3-.Ltmp3, $4  }
0x45: {  	v2 =	vld.idx.msk [tilespmem:v1+s22+$0xFFFFFFF0 ss:$0x1], $0xffff;
	[tilespmem:v0+s21+$0xFFFFFFE0 ss:$0x1] =	vst.idx.msk $0xffff, v5  }
0x46: {  	v3 =	vld.idx.msk [tilespmem:v1+s22+$0x0 ss:$0x1], $0xffff;
	[tilespmem:v0+s21+$0xFFFFFFF0 ss:$0x1] =	vst.idx.msk $0xffff, v7;
	s21 =	smov.u32 s22  }
0x47: {  	v5 =	vld.idx.msk [tilespmem:v1+s21+$0x10 ss:$0x1], $0xffff;
	[tilespmem:v0+s21+$0x0 ss:$0x1] =	vst.idx.msk $0xffff, v8  }
0x48: {  	s22 =	sshra.s32 s23, $0x2;
	s23 =	sadd.s32 $0x200, s23;
	[tilespmem:v0+s21+$0xFFFFFF90 ss:$0x1] =	vst.idx.msk $0xffff, v9;
	v7 =	vld.idx.msk [tilespmem:v1+s21+$0x20 ss:$0x1], $0xffff  }
.Ltmp4:
0x49: {  	_ = 	snop;
	(pc) =	sbr.rel .LBB1_4-.Ltmp4, $1  }
0x4a: {  	_ =	sdelay $0x3  }
.LBB1_6:
0x4b: {  	_ =	sfence.sel $0x180000  }
0x4c: {  	s2 =	simm.s32 $0x1;
	[bflag:$0x0] =	sbarrier.arrive $0xFFFF  }
0x4d: {  	s31 =	simm.s32 $0x2;
	[sflag:s2] =	ssyncpa.u1 $0x1  }
0x4e: {  	[sflag:s31] =	ssyncpa.u1 $0x1  }
0x4f: {  	p0 =	sne.s32 s0, $0x0;
	_ =	strace $0x9000004D  }
0x50: {  	s0 =	sadd.s32 @!p0 $0x100000, s1;
	[bflag:$0x2] =	sbarrier.arrive $0xFFFF  }
0x51: {  	[sflag:s0] =	ssyncadd.tile.s32 @!p0 $0x1;
	_ =	shalt  }
.Lfunc_end1:
_tile_overlayer_lowered:
.L_overlay_start_2:
0x52: {  	(tag) =	ssettag $0x2  }
0x53: {  	s0 =	rddreg [dreg:$0x0];
	s2 =	stileid.u32  }
0x54: {  	s1 =	rddreg [dreg:$0x1];
	p0 =	sne.s32 s2, $0x0  }
0x55: {  	s3 =	rddreg [dreg:$0x2];
	[bflag:$0x3] =	sbarrier.arrive $0xFFFF;
	s2 =	simm.s32 @!p0 $0x1C01  }
0x56: {  	[timem:s3], [sflag:s2] =	dma.local @!p0 [hbm:s0], s1  }
0x57: {  	s0 =	simm.s32 @!p0 $0x1  }
0x58: {  	_ =	swait.ge @!p0 [sflag:s0], s1  }
0x59: {  	s1 =	ssub.s32 @!p0 $0x0, s1;
	[sflag:s0] =	ssyncset.done @!p0 $0x0  }
0x5a: {  	[sflag:s0] =	ssyncadd.s32 @!p0 s1  }
0x5b: {  	[bflag:$0x3] =	sbarrier.arrive $0xFFFF  }
0x5c: {  	_ =	shalt  }

</sc_bundles>
